<compile_context>
chip_gen: v7x
topology: tpu7x:2x2x1
jax: 0.10.2.dev20260603
libtpu: 0.0.44.dev20260713+nightly
codegen_flags: <defaults>
</compile_context>

<pallas_src>
import functools

import jax
import jax.numpy as jnp
from jax import lax
from jax.experimental import pallas as pl
from jax.experimental.pallas import tpu as pltpu
from jax.experimental.pallas import tpu_sc as plsc

_N_E = 8192
_E_DIM = 32
_N_TOKENS = 32768

_T = 512
_G = _N_TOKENS // _T

_NC = 2
_NS = 16
_NW = _NC * _NS
_B_PER_W = _N_TOKENS // _NW
_CHUNK = 128
_NCHUNK = _B_PER_W // _CHUNK


_C = 128


def _dist_argmin_body(x_ref, w_ref, idx_ref, wtn_ref, wsq_ref):
    @pl.when(pl.program_id(0) == 0)
    def _init():
        wtn0 = jnp.transpose(w_ref[...]) * jnp.float32(-2.0)
        wtn_ref[...] = wtn0
        wsq_ref[...] = 0.25 * jnp.sum(wtn0 * wtn0, axis=0, keepdims=True)

    xb = x_ref[...]
    wtn = wtn_ref[...]
    xwn = jnp.dot(xb, wtn, preferred_element_type=jnp.float32)
    xsq = jnp.sum(xb * xb, axis=1, keepdims=True)
    wsq = wsq_ref[...]
    run_min = jnp.zeros((_T, _C), jnp.float32)
    run_c = jnp.zeros((_T, _C), jnp.float32)
    for c in range(_N_E // _C):
        d_c = (xsq + wsq[:, c * _C:(c + 1) * _C]) + xwn[:, c * _C:(c + 1) * _C]
        if c == 0:
            run_min = d_c
        else:
            mask = d_c < run_min
            run_min = jnp.where(mask, d_c, run_min)
            run_c = jnp.where(mask, jnp.float32(c), run_c)
    lane = lax.broadcasted_iota(jnp.int32, (_T, _C), 1).astype(jnp.float32)
    jf = run_c * jnp.float32(_C) + lane
    dmin = jnp.min(run_min, axis=1, keepdims=True)
    cand = jnp.where(run_min == dmin, jf, jnp.float32(_N_E))
    idx_ref[...] = jnp.min(cand, axis=1).astype(jnp.int32)


def _argmin_tc(x, wt):
    return pl.pallas_call(
        _dist_argmin_body,
        grid=(_G,),
        in_specs=[
            pl.BlockSpec((_T, _E_DIM), lambda i: (i, 0)),
            pl.BlockSpec((_N_E, _E_DIM), lambda i: (0, 0)),
        ],
        out_specs=pl.BlockSpec((_T,), lambda i: (i,)),
        out_shape=jax.ShapeDtypeStruct((_N_TOKENS,), jnp.int32),
        scratch_shapes=[pltpu.VMEM((_E_DIM, _N_E), jnp.float32),
                        pltpu.VMEM((1, _N_E), jnp.float32)],
    )(x, wt)


def _sc_gather_body(table_hbm, idx_hbm, out_hbm, idx_v, rows_v, sem):
    wid = lax.axis_index("s") * _NC + lax.axis_index("c")
    base = wid * _B_PER_W
    for j in range(_NCHUNK):
        pltpu.sync_copy(idx_hbm.at[pl.ds(base + j * _CHUNK, _CHUNK)],
                        idx_v.at[j])
    copies = []
    for j in range(_NCHUNK):
        copies.append(pltpu.async_copy(
            table_hbm.at[idx_v.at[j]],
            rows_v.at[pl.ds(j * _CHUNK, _CHUNK)], sem))
    for c in copies:
        c.wait()
    pltpu.sync_copy(rows_v, out_hbm.at[pl.ds(base, _B_PER_W)])


@functools.cache
def _sc_gather():
    return pl.kernel(
        _sc_gather_body,
        out_type=jax.ShapeDtypeStruct((_N_TOKENS, _E_DIM), jnp.float32),
        mesh=plsc.VectorSubcoreMesh(core_axis_name="c", subcore_axis_name="s"),
        scratch_types=[
            pltpu.VMEM((_NCHUNK, _CHUNK), jnp.int32),
            pltpu.VMEM((_B_PER_W, _E_DIM), jnp.float32),
            pltpu.SemaphoreType.DMA,
        ],
        compiler_params=pltpu.CompilerParams(use_tc_tiling_on_sc=False),
    )


def kernel(x, W):
    min_indexes = _argmin_tc(x, W)
    z_q = _sc_gather()(W, min_indexes)
    return (z_q, min_indexes)

# --- scband reference (transcript-rebuilt; emitter-appended) ---
"""Pipeline reference for scband-quantizer-module-55989193671193 (READ-ONLY COPY).

The authoritative reference and input builder live on the scoring server;
editing this copy changes nothing except your own understanding.
"""

import jax, jax.numpy as jnp
import numpy as np

N_E = 8192
E_DIM = 32
N_TOKENS = 32768

def setup_inputs(seed: int = 0) -> dict:
    key = jax.random.key(seed)
    k1, k2 = jax.random.split(key)
    x = jax.random.normal(k1, (N_TOKENS, E_DIM), dtype=jnp.float32)
    W = jax.random.uniform(k2, (N_E, E_DIM), dtype=jnp.float32, minval=-1.0 / N_E, maxval=1.0 / N_E)
    return {"x": x, "W": W}

def reference(x, W):
    # d[i, j] = ||x_i||^2 + ||w_j||^2 - 2 <x_i, w_j>
    d = jnp.sum(x ** 2, axis=1, keepdims=True) + jnp.sum(W ** 2, axis=1) - 2.0 * jnp.matmul(x, W.T)
    min_indexes = jnp.argmin(d, axis=1)
    z_q = jnp.take(W, min_indexes, axis=0)
    return (z_q, min_indexes)

if __name__ == "__main__":
    import jax
    _d = setup_inputs()
    print(jax.jit(kernel)(*tuple(_d.values())))

</pallas_src>

<mosaic_0001>
#map = affine_map<(d0, d1) -> (0, 0)>
#map1 = affine_map<(d0, d1) -> (0)>
module attributes {stable_mosaic.version = 14 : i64} {
  func.func @_sc_gather_body(%arg0: i32, %arg1: i32, %arg2: memref<8192x32xf32, #tpu.memory_space<hbm>>, %arg3: memref<32768xi32, #tpu.memory_space<hbm>>, %arg4: memref<32768x32xf32, #tpu.memory_space<hbm>>, %arg5: memref<8x128xi32, #tpu.memory_space<vmem>>, %arg6: memref<1024x32xf32, #tpu.memory_space<vmem>>, %arg7: memref<!tpu.dma_semaphore, #tpu.memory_space<semaphore_mem>>) attributes {dimension_semantics = [#tpu.dimension_semantics<core_parallel>, #tpu.dimension_semantics<subcore_parallel>], iteration_bounds = array<i64: 2, 16>, scalar_prefetch = 0 : i64, scratch_operands = 3 : i64, tpu.core_type = #tpu.core_type<sc_vector_subcore>, window_params = [{transform_indices = #map}, {transform_indices = #map1}, {transform_indices = #map}]} {
    %mul3A = arith.constant 2 : i32
    %mul3A_0 = arith.muli %arg1, %mul3A : i32
    %add3A = arith.addi %mul3A_0, %arg0 : i32
    %mul3A_1 = arith.constant 1024 : i32
    %mul3A_2 = arith.muli %add3A, %mul3A_1 : i32
    %add3A_3 = arith.constant 0 : i32
    %add3A_4 = arith.addi %mul3A_2, %add3A_3 : i32
    %run_scoped3A = arith.constant 0 : i32
    "tpu.region"() ({
      %run_scoped3A_184 = tpu.sem_alloc : memref<!tpu.dma_semaphore, #tpu.memory_space<semaphore_mem>>
      %dma_start3A_185 = arith.constant 0 : i32
      %dma_start3A_186 = tpu.memref_slice %arg5[%run_scoped3A, %dma_start3A_185] : memref<8x128xi32, #tpu.memory_space<vmem>> -> memref<1x128xi32, #tpu.memory_space<vmem>>
      %dma_start3A_187 = tpu.memref_squeeze %dma_start3A_186 : memref<1x128xi32, #tpu.memory_space<vmem>> -> memref<128xi32, #tpu.memory_space<vmem>>
      %dma_start3A_188 = tpu.memref_slice %arg3[%add3A_4] : memref<32768xi32, #tpu.memory_space<hbm>> -> memref<128xi32, #tpu.memory_space<hbm>>
      %dma_start3A_189 = arith.constant 0 : i32
      %dma_start3A_190 = tpu.memref_slice %arg5[%run_scoped3A, %dma_start3A_189] : memref<8x128xi32, #tpu.memory_space<vmem>> -> memref<1x128xi32, #tpu.memory_space<vmem>>
      %dma_start3A_191 = tpu.memref_squeeze %dma_start3A_190 : memref<1x128xi32, #tpu.memory_space<vmem>> -> memref<128xi32, #tpu.memory_space<vmem>>
      %dma_start3A_192 = tpu.memref_slice %arg3[%add3A_4] : memref<32768xi32, #tpu.memory_space<hbm>> -> memref<128xi32, #tpu.memory_space<hbm>>
      tpu.enqueue_dma source(%dma_start3A_192 : memref<128xi32, #tpu.memory_space<hbm>>) target(%dma_start3A_191 : memref<128xi32, #tpu.memory_space<vmem>>) target_semaphore(%run_scoped3A_184 : memref<!tpu.dma_semaphore, #tpu.memory_space<semaphore_mem>>)
      %dma_wait3A_193 = arith.constant 0 : i32
      %dma_wait3A_194 = tpu.memref_slice %arg5[%run_scoped3A, %dma_wait3A_193] : memref<8x128xi32, #tpu.memory_space<vmem>> -> memref<1x128xi32, #tpu.memory_space<vmem>>
      %dma_wait3A_195 = tpu.memref_squeeze %dma_wait3A_194 : memref<1x128xi32, #tpu.memory_space<vmem>> -> memref<128xi32, #tpu.memory_space<vmem>>
      %dma_wait3A_196 = tpu.memref_slice %arg3[%add3A_4] : memref<32768xi32, #tpu.memory_space<hbm>> -> memref<128xi32, #tpu.memory_space<hbm>>
      %dma_wait3A_197 = arith.constant 0 : i32
      %dma_wait3A_198 = tpu.memref_slice %arg5[%run_scoped3A, %dma_wait3A_197] : memref<8x128xi32, #tpu.memory_space<vmem>> -> memref<1x128xi32, #tpu.memory_space<vmem>>
      %dma_wait3A_199 = tpu.memref_squeeze %dma_wait3A_198 : memref<1x128xi32, #tpu.memory_space<vmem>> -> memref<128xi32, #tpu.memory_space<vmem>>
      %dma_wait3A_200 = tpu.memref_slice %arg3[%add3A_4] : memref<32768xi32, #tpu.memory_space<hbm>> -> memref<128xi32, #tpu.memory_space<hbm>>
      tpu.wait_dma2 semaphore(%run_scoped3A_184 : memref<!tpu.dma_semaphore, #tpu.memory_space<semaphore_mem>>) src(%dma_wait3A_200 : memref<128xi32, #tpu.memory_space<hbm>>) dst(%dma_wait3A_199 : memref<128xi32, #tpu.memory_space<vmem>>)
      tpu.yield
    }) : () -> ()
    %add3A_5 = arith.constant 128 : i32
    %add3A_6 = arith.addi %mul3A_2, %add3A_5 : i32
    %run_scoped3A_7 = arith.constant 1 : i32
    "tpu.region"() ({
      %run_scoped3A_184 = tpu.sem_alloc : memref<!tpu.dma_semaphore, #tpu.memory_space<semaphore_mem>>
      %dma_start3A_185 = arith.constant 0 : i32
      %dma_start3A_186 = tpu.memref_slice %arg5[%run_scoped3A_7, %dma_start3A_185] : memref<8x128xi32, #tpu.memory_space<vmem>> -> memref<1x128xi32, #tpu.memory_space<vmem>>
      %dma_start3A_187 = tpu.memref_squeeze %dma_start3A_186 : memref<1x128xi32, #tpu.memory_space<vmem>> -> memref<128xi32, #tpu.memory_space<vmem>>
      %dma_start3A_188 = tpu.memref_slice %arg3[%add3A_6] : memref<32768xi32, #tpu.memory_space<hbm>> -> memref<128xi32, #tpu.memory_space<hbm>>
      %dma_start3A_189 = arith.constant 0 : i32
      %dma_start3A_190 = tpu.memref_slice %arg5[%run_scoped3A_7, %dma_start3A_189] : memref<8x128xi32, #tpu.memory_space<vmem>> -> memref<1x128xi32, #tpu.memory_space<vmem>>
      %dma_start3A_191 = tpu.memref_squeeze %dma_start3A_190 : memref<1x128xi32, #tpu.memory_space<vmem>> -> memref<128xi32, #tpu.memory_space<vmem>>
      %dma_start3A_192 = tpu.memref_slice %arg3[%add3A_6] : memref<32768xi32, #tpu.memory_space<hbm>> -> memref<128xi32, #tpu.memory_space<hbm>>
      tpu.enqueue_dma source(%dma_start3A_192 : memref<128xi32, #tpu.memory_space<hbm>>) target(%dma_start3A_191 : memref<128xi32, #tpu.memory_space<vmem>>) target_semaphore(%run_scoped3A_184 : memref<!tpu.dma_semaphore, #tpu.memory_space<semaphore_mem>>)
      %dma_wait3A_193 = arith.constant 0 : i32
      %dma_wait3A_194 = tpu.memref_slice %arg5[%run_scoped3A_7, %dma_wait3A_193] : memref<8x128xi32, #tpu.memory_space<vmem>> -> memref<1x128xi32, #tpu.memory_space<vmem>>
      %dma_wait3A_195 = tpu.memref_squeeze %dma_wait3A_194 : memref<1x128xi32, #tpu.memory_space<vmem>> -> memref<128xi32, #tpu.memory_space<vmem>>
      %dma_wait3A_196 = tpu.memref_slice %arg3[%add3A_6] : memref<32768xi32, #tpu.memory_space<hbm>> -> memref<128xi32, #tpu.memory_space<hbm>>
      %dma_wait3A_197 = arith.constant 0 : i32
      %dma_wait3A_198 = tpu.memref_slice %arg5[%run_scoped3A_7, %dma_wait3A_197] : memref<8x128xi32, #tpu.memory_space<vmem>> -> memref<1x128xi32, #tpu.memory_space<vmem>>
      %dma_wait3A_199 = tpu.memref_squeeze %dma_wait3A_198 : memref<1x128xi32, #tpu.memory_space<vmem>> -> memref<128xi32, #tpu.memory_space<vmem>>
      %dma_wait3A_200 = tpu.memref_slice %arg3[%add3A_6] : memref<32768xi32, #tpu.memory_space<hbm>> -> memref<128xi32, #tpu.memory_space<hbm>>
      tpu.wait_dma2 semaphore(%run_scoped3A_184 : memref<!tpu.dma_semaphore, #tpu.memory_space<semaphore_mem>>) src(%dma_wait3A_200 : memref<128xi32, #tpu.memory_space<hbm>>) dst(%dma_wait3A_199 : memref<128xi32, #tpu.memory_space<vmem>>)
      tpu.yield
    }) : () -> ()
    %add3A_8 = arith.constant 256 : i32
    %add3A_9 = arith.addi %mul3A_2, %add3A_8 : i32
    %run_scoped3A_10 = arith.constant 2 : i32
    "tpu.region"() ({
      %run_scoped3A_184 = tpu.sem_alloc : memref<!tpu.dma_semaphore, #tpu.memory_space<semaphore_mem>>
      %dma_start3A_185 = arith.constant 0 : i32
      %dma_start3A_186 = tpu.memref_slice %arg5[%run_scoped3A_10, %dma_start3A_185] : memref<8x128xi32, #tpu.memory_space<vmem>> -> memref<1x128xi32, #tpu.memory_space<vmem>>
      %dma_start3A_187 = tpu.memref_squeeze %dma_start3A_186 : memref<1x128xi32, #tpu.memory_space<vmem>> -> memref<128xi32, #tpu.memory_space<vmem>>
      %dma_start3A_188 = tpu.memref_slice %arg3[%add3A_9] : memref<32768xi32, #tpu.memory_space<hbm>> -> memref<128xi32, #tpu.memory_space<hbm>>
      %dma_start3A_189 = arith.constant 0 : i32
      %dma_start3A_190 = tpu.memref_slice %arg5[%run_scoped3A_10, %dma_start3A_189] : memref<8x128xi32, #tpu.memory_space<vmem>> -> memref<1x128xi32, #tpu.memory_space<vmem>>
      %dma_start3A_191 = tpu.memref_squeeze %dma_start3A_190 : memref<1x128xi32, #tpu.memory_space<vmem>> -> memref<128xi32, #tpu.memory_space<vmem>>
      %dma_start3A_192 = tpu.memref_slice %arg3[%add3A_9] : memref<32768xi32, #tpu.memory_space<hbm>> -> memref<128xi32, #tpu.memory_space<hbm>>
      tpu.enqueue_dma source(%dma_start3A_192 : memref<128xi32, #tpu.memory_space<hbm>>) target(%dma_start3A_191 : memref<128xi32, #tpu.memory_space<vmem>>) target_semaphore(%run_scoped3A_184 : memref<!tpu.dma_semaphore, #tpu.memory_space<semaphore_mem>>)
      %dma_wait3A_193 = arith.constant 0 : i32
      %dma_wait3A_194 = tpu.memref_slice %arg5[%run_scoped3A_10, %dma_wait3A_193] : memref<8x128xi32, #tpu.memory_space<vmem>> -> memref<1x128xi32, #tpu.memory_space<vmem>>
      %dma_wait3A_195 = tpu.memref_squeeze %dma_wait3A_194 : memref<1x128xi32, #tpu.memory_space<vmem>> -> memref<128xi32, #tpu.memory_space<vmem>>
      %dma_wait3A_196 = tpu.memref_slice %arg3[%add3A_9] : memref<32768xi32, #tpu.memory_space<hbm>> -> memref<128xi32, #tpu.memory_space<hbm>>
      %dma_wait3A_197 = arith.constant 0 : i32
      %dma_wait3A_198 = tpu.memref_slice %arg5[%run_scoped3A_10, %dma_wait3A_197] : memref<8x128xi32, #tpu.memory_space<vmem>> -> memref<1x128xi32, #tpu.memory_space<vmem>>
      %dma_wait3A_199 = tpu.memref_squeeze %dma_wait3A_198 : memref<1x128xi32, #tpu.memory_space<vmem>> -> memref<128xi32, #tpu.memory_space<vmem>>
      %dma_wait3A_200 = tpu.memref_slice %arg3[%add3A_9] : memref<32768xi32, #tpu.memory_space<hbm>> -> memref<128xi32, #tpu.memory_space<hbm>>
      tpu.wait_dma2 semaphore(%run_scoped3A_184 : memref<!tpu.dma_semaphore, #tpu.memory_space<semaphore_mem>>) src(%dma_wait3A_200 : memref<128xi32, #tpu.memory_space<hbm>>) dst(%dma_wait3A_199 : memref<128xi32, #tpu.memory_space<vmem>>)
      tpu.yield
    }) : () -> ()
    %add3A_11 = arith.constant 384 : i32
    %add3A_12 = arith.addi %mul3A_2, %add3A_11 : i32
    %run_scoped3A_13 = arith.constant 3 : i32
    "tpu.region"() ({
      %run_scoped3A_184 = tpu.sem_alloc : memref<!tpu.dma_semaphore, #tpu.memory_space<semaphore_mem>>
      %dma_start3A_185 = arith.constant 0 : i32
      %dma_start3A_186 = tpu.memref_slice %arg5[%run_scoped3A_13, %dma_start3A_185] : memref<8x128xi32, #tpu.memory_space<vmem>> -> memref<1x128xi32, #tpu.memory_space<vmem>>
      %dma_start3A_187 = tpu.memref_squeeze %dma_start3A_186 : memref<1x128xi32, #tpu.memory_space<vmem>> -> memref<128xi32, #tpu.memory_space<vmem>>
      %dma_start3A_188 = tpu.memref_slice %arg3[%add3A_12] : memref<32768xi32, #tpu.memory_space<hbm>> -> memref<128xi32, #tpu.memory_space<hbm>>
      %dma_start3A_189 = arith.constant 0 : i32
      %dma_start3A_190 = tpu.memref_slice %arg5[%run_scoped3A_13, %dma_start3A_189] : memref<8x128xi32, #tpu.memory_space<vmem>> -> memref<1x128xi32, #tpu.memory_space<vmem>>
      %dma_start3A_191 = tpu.memref_squeeze %dma_start3A_190 : memref<1x128xi32, #tpu.memory_space<vmem>> -> memref<128xi32, #tpu.memory_space<vmem>>
      %dma_start3A_192 = tpu.memref_slice %arg3[%add3A_12] : memref<32768xi32, #tpu.memory_space<hbm>> -> memref<128xi32, #tpu.memory_space<hbm>>
      tpu.enqueue_dma source(%dma_start3A_192 : memref<128xi32, #tpu.memory_space<hbm>>) target(%dma_start3A_191 : memref<128xi32, #tpu.memory_space<vmem>>) target_semaphore(%run_scoped3A_184 : memref<!tpu.dma_semaphore, #tpu.memory_space<semaphore_mem>>)
      %dma_wait3A_193 = arith.constant 0 : i32
      %dma_wait3A_194 = tpu.memref_slice %arg5[%run_scoped3A_13, %dma_wait3A_193] : memref<8x128xi32, #tpu.memory_space<vmem>> -> memref<1x128xi32, #tpu.memory_space<vmem>>
      %dma_wait3A_195 = tpu.memref_squeeze %dma_wait3A_194 : memref<1x128xi32, #tpu.memory_space<vmem>> -> memref<128xi32, #tpu.memory_space<vmem>>
      %dma_wait3A_196 = tpu.memref_slice %arg3[%add3A_12] : memref<32768xi32, #tpu.memory_space<hbm>> -> memref<128xi32, #tpu.memory_space<hbm>>
      %dma_wait3A_197 = arith.constant 0 : i32
      %dma_wait3A_198 = tpu.memref_slice %arg5[%run_scoped3A_13, %dma_wait3A_197] : memref<8x128xi32, #tpu.memory_space<vmem>> -> memref<1x128xi32, #tpu.memory_space<vmem>>
      %dma_wait3A_199 = tpu.memref_squeeze %dma_wait3A_198 : memref<1x128xi32, #tpu.memory_space<vmem>> -> memref<128xi32, #tpu.memory_space<vmem>>
      %dma_wait3A_200 = tpu.memref_slice %arg3[%add3A_12] : memref<32768xi32, #tpu.memory_space<hbm>> -> memref<128xi32, #tpu.memory_space<hbm>>
      tpu.wait_dma2 semaphore(%run_scoped3A_184 : memref<!tpu.dma_semaphore, #tpu.memory_space<semaphore_mem>>) src(%dma_wait3A_200 : memref<128xi32, #tpu.memory_space<hbm>>) dst(%dma_wait3A_199 : memref<128xi32, #tpu.memory_space<vmem>>)
      tpu.yield
    }) : () -> ()
    %add3A_14 = arith.constant 512 : i32
    %add3A_15 = arith.addi %mul3A_2, %add3A_14 : i32
    %run_scoped3A_16 = arith.constant 4 : i32
    "tpu.region"() ({
      %run_scoped3A_184 = tpu.sem_alloc : memref<!tpu.dma_semaphore, #tpu.memory_space<semaphore_mem>>
      %dma_start3A_185 = arith.constant 0 : i32
      %dma_start3A_186 = tpu.memref_slice %arg5[%run_scoped3A_16, %dma_start3A_185] : memref<8x128xi32, #tpu.memory_space<vmem>> -> memref<1x128xi32, #tpu.memory_space<vmem>>
      %dma_start3A_187 = tpu.memref_squeeze %dma_start3A_186 : memref<1x128xi32, #tpu.memory_space<vmem>> -> memref<128xi32, #tpu.memory_space<vmem>>
      %dma_start3A_188 = tpu.memref_slice %arg3[%add3A_15] : memref<32768xi32, #tpu.memory_space<hbm>> -> memref<128xi32, #tpu.memory_space<hbm>>
      %dma_start3A_189 = arith.constant 0 : i32
      %dma_start3A_190 = tpu.memref_slice %arg5[%run_scoped3A_16, %dma_start3A_189] : memref<8x128xi32, #tpu.memory_space<vmem>> -> memref<1x128xi32, #tpu.memory_space<vmem>>
      %dma_start3A_191 = tpu.memref_squeeze %dma_start3A_190 : memref<1x128xi32, #tpu.memory_space<vmem>> -> memref<128xi32, #tpu.memory_space<vmem>>
      %dma_start3A_192 = tpu.memref_slice %arg3[%add3A_15] : memref<32768xi32, #tpu.memory_space<hbm>> -> memref<128xi32, #tpu.memory_space<hbm>>
      tpu.enqueue_dma source(%dma_start3A_192 : memref<128xi32, #tpu.memory_space<hbm>>) target(%dma_start3A_191 : memref<128xi32, #tpu.memory_space<vmem>>) target_semaphore(%run_scoped3A_184 : memref<!tpu.dma_semaphore, #tpu.memory_space<semaphore_mem>>)
      %dma_wait3A_193 = arith.constant 0 : i32
      %dma_wait3A_194 = tpu.memref_slice %arg5[%run_scoped3A_16, %dma_wait3A_193] : memref<8x128xi32, #tpu.memory_space<vmem>> -> memref<1x128xi32, #tpu.memory_space<vmem>>
      %dma_wait3A_195 = tpu.memref_squeeze %dma_wait3A_194 : memref<1x128xi32, #tpu.memory_space<vmem>> -> memref<128xi32, #tpu.memory_space<vmem>>
      %dma_wait3A_196 = tpu.memref_slice %arg3[%add3A_15] : memref<32768xi32, #tpu.memory_space<hbm>> -> memref<128xi32, #tpu.memory_space<hbm>>
      %dma_wait3A_197 = arith.constant 0 : i32
      %dma_wait3A_198 = tpu.memref_slice %arg5[%run_scoped3A_16, %dma_wait3A_197] : memref<8x128xi32, #tpu.memory_space<vmem>> -> memref<1x128xi32, #tpu.memory_space<vmem>>
      %dma_wait3A_199 = tpu.memref_squeeze %dma_wait3A_198 : memref<1x128xi32, #tpu.memory_space<vmem>> -> memref<128xi32, #tpu.memory_space<vmem>>
      %dma_wait3A_200 = tpu.memref_slice %arg3[%add3A_15] : memref<32768xi32, #tpu.memory_space<hbm>> -> memref<128xi32, #tpu.memory_space<hbm>>
      tpu.wait_dma2 semaphore(%run_scoped3A_184 : memref<!tpu.dma_semaphore, #tpu.memory_space<semaphore_mem>>) src(%dma_wait3A_200 : memref<128xi32, #tpu.memory_space<hbm>>) dst(%dma_wait3A_199 : memref<128xi32, #tpu.memory_space<vmem>>)
      tpu.yield
    }) : () -> ()
    %add3A_17 = arith.constant 640 : i32
    %add3A_18 = arith.addi %mul3A_2, %add3A_17 : i32
    %run_scoped3A_19 = arith.constant 5 : i32
    "tpu.region"() ({
      %run_scoped3A_184 = tpu.sem_alloc : memref<!tpu.dma_semaphore, #tpu.memory_space<semaphore_mem>>
      %dma_start3A_185 = arith.constant 0 : i32
      %dma_start3A_186 = tpu.memref_slice %arg5[%run_scoped3A_19, %dma_start3A_185] : memref<8x128xi32, #tpu.memory_space<vmem>> -> memref<1x128xi32, #tpu.memory_space<vmem>>
      %dma_start3A_187 = tpu.memref_squeeze %dma_start3A_186 : memref<1x128xi32, #tpu.memory_space<vmem>> -> memref<128xi32, #tpu.memory_space<vmem>>
      %dma_start3A_188 = tpu.memref_slice %arg3[%add3A_18] : memref<32768xi32, #tpu.memory_space<hbm>> -> memref<128xi32, #tpu.memory_space<hbm>>
      %dma_start3A_189 = arith.constant 0 : i32
      %dma_start3A_190 = tpu.memref_slice %arg5[%run_scoped3A_19, %dma_start3A_189] : memref<8x128xi32, #tpu.memory_space<vmem>> -> memref<1x128xi32, #tpu.memory_space<vmem>>
      %dma_start3A_191 = tpu.memref_squeeze %dma_start3A_190 : memref<1x128xi32, #tpu.memory_space<vmem>> -> memref<128xi32, #tpu.memory_space<vmem>>
      %dma_start3A_192 = tpu.memref_slice %arg3[%add3A_18] : memref<32768xi32, #tpu.memory_space<hbm>> -> memref<128xi32, #tpu.memory_space<hbm>>
      tpu.enqueue_dma source(%dma_start3A_192 : memref<128xi32, #tpu.memory_space<hbm>>) target(%dma_start3A_191 : memref<128xi32, #tpu.memory_space<vmem>>) target_semaphore(%run_scoped3A_184 : memref<!tpu.dma_semaphore, #tpu.memory_space<semaphore_mem>>)
      %dma_wait3A_193 = arith.constant 0 : i32
      %dma_wait3A_194 = tpu.memref_slice %arg5[%run_scoped3A_19, %dma_wait3A_193] : memref<8x128xi32, #tpu.memory_space<vmem>> -> memref<1x128xi32, #tpu.memory_space<vmem>>
      %dma_wait3A_195 = tpu.memref_squeeze %dma_wait3A_194 : memref<1x128xi32, #tpu.memory_space<vmem>> -> memref<128xi32, #tpu.memory_space<vmem>>
      %dma_wait3A_196 = tpu.memref_slice %arg3[%add3A_18] : memref<32768xi32, #tpu.memory_space<hbm>> -> memref<128xi32, #tpu.memory_space<hbm>>
      %dma_wait3A_197 = arith.constant 0 : i32
      %dma_wait3A_198 = tpu.memref_slice %arg5[%run_scoped3A_19, %dma_wait3A_197] : memref<8x128xi32, #tpu.memory_space<vmem>> -> memref<1x128xi32, #tpu.memory_space<vmem>>
      %dma_wait3A_199 = tpu.memref_squeeze %dma_wait3A_198 : memref<1x128xi32, #tpu.memory_space<vmem>> -> memref<128xi32, #tpu.memory_space<vmem>>
      %dma_wait3A_200 = tpu.memref_slice %arg3[%add3A_18] : memref<32768xi32, #tpu.memory_space<hbm>> -> memref<128xi32, #tpu.memory_space<hbm>>
      tpu.wait_dma2 semaphore(%run_scoped3A_184 : memref<!tpu.dma_semaphore, #tpu.memory_space<semaphore_mem>>) src(%dma_wait3A_200 : memref<128xi32, #tpu.memory_space<hbm>>) dst(%dma_wait3A_199 : memref<128xi32, #tpu.memory_space<vmem>>)
      tpu.yield
    }) : () -> ()
    %add3A_20 = arith.constant 768 : i32
    %add3A_21 = arith.addi %mul3A_2, %add3A_20 : i32
    %run_scoped3A_22 = arith.constant 6 : i32
    "tpu.region"() ({
      %run_scoped3A_184 = tpu.sem_alloc : memref<!tpu.dma_semaphore, #tpu.memory_space<semaphore_mem>>
      %dma_start3A_185 = arith.constant 0 : i32
      %dma_start3A_186 = tpu.memref_slice %arg5[%run_scoped3A_22, %dma_start3A_185] : memref<8x128xi32, #tpu.memory_space<vmem>> -> memref<1x128xi32, #tpu.memory_space<vmem>>
      %dma_start3A_187 = tpu.memref_squeeze %dma_start3A_186 : memref<1x128xi32, #tpu.memory_space<vmem>> -> memref<128xi32, #tpu.memory_space<vmem>>
      %dma_start3A_188 = tpu.memref_slice %arg3[%add3A_21] : memref<32768xi32, #tpu.memory_space<hbm>> -> memref<128xi32, #tpu.memory_space<hbm>>
      %dma_start3A_189 = arith.constant 0 : i32
      %dma_start3A_190 = tpu.memref_slice %arg5[%run_scoped3A_22, %dma_start3A_189] : memref<8x128xi32, #tpu.memory_space<vmem>> -> memref<1x128xi32, #tpu.memory_space<vmem>>
      %dma_start3A_191 = tpu.memref_squeeze %dma_start3A_190 : memref<1x128xi32, #tpu.memory_space<vmem>> -> memref<128xi32, #tpu.memory_space<vmem>>
      %dma_start3A_192 = tpu.memref_slice %arg3[%add3A_21] : memref<32768xi32, #tpu.memory_space<hbm>> -> memref<128xi32, #tpu.memory_space<hbm>>
      tpu.enqueue_dma source(%dma_start3A_192 : memref<128xi32, #tpu.memory_space<hbm>>) target(%dma_start3A_191 : memref<128xi32, #tpu.memory_space<vmem>>) target_semaphore(%run_scoped3A_184 : memref<!tpu.dma_semaphore, #tpu.memory_space<semaphore_mem>>)
      %dma_wait3A_193 = arith.constant 0 : i32
      %dma_wait3A_194 = tpu.memref_slice %arg5[%run_scoped3A_22, %dma_wait3A_193] : memref<8x128xi32, #tpu.memory_space<vmem>> -> memref<1x128xi32, #tpu.memory_space<vmem>>
      %dma_wait3A_195 = tpu.memref_squeeze %dma_wait3A_194 : memref<1x128xi32, #tpu.memory_space<vmem>> -> memref<128xi32, #tpu.memory_space<vmem>>
      %dma_wait3A_196 = tpu.memref_slice %arg3[%add3A_21] : memref<32768xi32, #tpu.memory_space<hbm>> -> memref<128xi32, #tpu.memory_space<hbm>>
      %dma_wait3A_197 = arith.constant 0 : i32
      %dma_wait3A_198 = tpu.memref_slice %arg5[%run_scoped3A_22, %dma_wait3A_197] : memref<8x128xi32, #tpu.memory_space<vmem>> -> memref<1x128xi32, #tpu.memory_space<vmem>>
      %dma_wait3A_199 = tpu.memref_squeeze %dma_wait3A_198 : memref<1x128xi32, #tpu.memory_space<vmem>> -> memref<128xi32, #tpu.memory_space<vmem>>
      %dma_wait3A_200 = tpu.memref_slice %arg3[%add3A_21] : memref<32768xi32, #tpu.memory_space<hbm>> -> memref<128xi32, #tpu.memory_space<hbm>>
      tpu.wait_dma2 semaphore(%run_scoped3A_184 : memref<!tpu.dma_semaphore, #tpu.memory_space<semaphore_mem>>) src(%dma_wait3A_200 : memref<128xi32, #tpu.memory_space<hbm>>) dst(%dma_wait3A_199 : memref<128xi32, #tpu.memory_space<vmem>>)
      tpu.yield
    }) : () -> ()
    %add3A_23 = arith.constant 896 : i32
    %add3A_24 = arith.addi %mul3A_2, %add3A_23 : i32
    %run_scoped3A_25 = arith.constant 7 : i32
    "tpu.region"() ({
      %run_scoped3A_184 = tpu.sem_alloc : memref<!tpu.dma_semaphore, #tpu.memory_space<semaphore_mem>>
      %dma_start3A_185 = arith.constant 0 : i32
      %dma_start3A_186 = tpu.memref_slice %arg5[%run_scoped3A_25, %dma_start3A_185] : memref<8x128xi32, #tpu.memory_space<vmem>> -> memref<1x128xi32, #tpu.memory_space<vmem>>
      %dma_start3A_187 = tpu.memref_squeeze %dma_start3A_186 : memref<1x128xi32, #tpu.memory_space<vmem>> -> memref<128xi32, #tpu.memory_space<vmem>>
      %dma_start3A_188 = tpu.memref_slice %arg3[%add3A_24] : memref<32768xi32, #tpu.memory_space<hbm>> -> memref<128xi32, #tpu.memory_space<hbm>>
      %dma_start3A_189 = arith.constant 0 : i32
      %dma_start3A_190 = tpu.memref_slice %arg5[%run_scoped3A_25, %dma_start3A_189] : memref<8x128xi32, #tpu.memory_space<vmem>> -> memref<1x128xi32, #tpu.memory_space<vmem>>
      %dma_start3A_191 = tpu.memref_squeeze %dma_start3A_190 : memref<1x128xi32, #tpu.memory_space<vmem>> -> memref<128xi32, #tpu.memory_space<vmem>>
      %dma_start3A_192 = tpu.memref_slice %arg3[%add3A_24] : memref<32768xi32, #tpu.memory_space<hbm>> -> memref<128xi32, #tpu.memory_space<hbm>>
      tpu.enqueue_dma source(%dma_start3A_192 : memref<128xi32, #tpu.memory_space<hbm>>) target(%dma_start3A_191 : memref<128xi32, #tpu.memory_space<vmem>>) target_semaphore(%run_scoped3A_184 : memref<!tpu.dma_semaphore, #tpu.memory_space<semaphore_mem>>)
      %dma_wait3A_193 = arith.constant 0 : i32
      %dma_wait3A_194 = tpu.memref_slice %arg5[%run_scoped3A_25, %dma_wait3A_193] : memref<8x128xi32, #tpu.memory_space<vmem>> -> memref<1x128xi32, #tpu.memory_space<vmem>>
      %dma_wait3A_195 = tpu.memref_squeeze %dma_wait3A_194 : memref<1x128xi32, #tpu.memory_space<vmem>> -> memref<128xi32, #tpu.memory_space<vmem>>
      %dma_wait3A_196 = tpu.memref_slice %arg3[%add3A_24] : memref<32768xi32, #tpu.memory_space<hbm>> -> memref<128xi32, #tpu.memory_space<hbm>>
      %dma_wait3A_197 = arith.constant 0 : i32
      %dma_wait3A_198 = tpu.memref_slice %arg5[%run_scoped3A_25, %dma_wait3A_197] : memref<8x128xi32, #tpu.memory_space<vmem>> -> memref<1x128xi32, #tpu.memory_space<vmem>>
      %dma_wait3A_199 = tpu.memref_squeeze %dma_wait3A_198 : memref<1x128xi32, #tpu.memory_space<vmem>> -> memref<128xi32, #tpu.memory_space<vmem>>
      %dma_wait3A_200 = tpu.memref_slice %arg3[%add3A_24] : memref<32768xi32, #tpu.memory_space<hbm>> -> memref<128xi32, #tpu.memory_space<hbm>>
      tpu.wait_dma2 semaphore(%run_scoped3A_184 : memref<!tpu.dma_semaphore, #tpu.memory_space<semaphore_mem>>) src(%dma_wait3A_200 : memref<128xi32, #tpu.memory_space<hbm>>) dst(%dma_wait3A_199 : memref<128xi32, #tpu.memory_space<vmem>>)
      tpu.yield
    }) : () -> ()
    %dma_start3A = arith.constant 0 : i32
    %dma_start3A_26 = arith.constant 0 : i32
    %dma_start3A_27 = arith.constant 0 : i32
    %dma_start3A_28 = tpu.memref_slice %arg6[%dma_start3A_26, %dma_start3A_27] : memref<1024x32xf32, #tpu.memory_space<vmem>> -> memref<128x32xf32, #tpu.memory_space<vmem>>
    %dma_start3A_29 = arith.constant 0 : i32
    %dma_start3A_30 = tpu.memref_slice %arg5[%dma_start3A, %dma_start3A_29] : memref<8x128xi32, #tpu.memory_space<vmem>> -> memref<1x128xi32, #tpu.memory_space<vmem>>
    %dma_start3A_31 = tpu.memref_squeeze %dma_start3A_30 : memref<1x128xi32, #tpu.memory_space<vmem>> -> memref<128xi32, #tpu.memory_space<vmem>>
    %dma_start3A_32 = arith.constant 0 : i32
    %dma_start3A_33 = arith.constant 0 : i32
    %dma_start3A_34 = tpu.memref_slice %arg2[%dma_start3A_32, %dma_start3A_33] : memref<8192x32xf32, #tpu.memory_space<hbm>> -> memref<8192x32xf32, #tpu.memory_space<hbm>>
    tpu.enqueue_indirect_dma source(%dma_start3A_34 : memref<8192x32xf32, #tpu.memory_space<hbm>>) target(%dma_start3A_28 : memref<128x32xf32, #tpu.memory_space<vmem>>) offsets(%dma_start3A_31 : memref<128xi32, #tpu.memory_space<vmem>>) semaphore(%arg7 : memref<!tpu.dma_semaphore, #tpu.memory_space<semaphore_mem>>)
    %dma_start3A_35 = arith.constant 1 : i32
    %dma_start3A_36 = arith.constant 128 : i32
    %dma_start3A_37 = arith.constant 0 : i32
    %dma_start3A_38 = tpu.memref_slice %arg6[%dma_start3A_36, %dma_start3A_37] : memref<1024x32xf32, #tpu.memory_space<vmem>> -> memref<128x32xf32, #tpu.memory_space<vmem>>
    %dma_start3A_39 = arith.constant 0 : i32
    %dma_start3A_40 = tpu.memref_slice %arg5[%dma_start3A_35, %dma_start3A_39] : memref<8x128xi32, #tpu.memory_space<vmem>> -> memref<1x128xi32, #tpu.memory_space<vmem>>
    %dma_start3A_41 = tpu.memref_squeeze %dma_start3A_40 : memref<1x128xi32, #tpu.memory_space<vmem>> -> memref<128xi32, #tpu.memory_space<vmem>>
    %dma_start3A_42 = arith.constant 0 : i32
    %dma_start3A_43 = arith.constant 0 : i32
    %dma_start3A_44 = tpu.memref_slice %arg2[%dma_start3A_42, %dma_start3A_43] : memref<8192x32xf32, #tpu.memory_space<hbm>> -> memref<8192x32xf32, #tpu.memory_space<hbm>>
    tpu.enqueue_indirect_dma source(%dma_start3A_44 : memref<8192x32xf32, #tpu.memory_space<hbm>>) target(%dma_start3A_38 : memref<128x32xf32, #tpu.memory_space<vmem>>) offsets(%dma_start3A_41 : memref<128xi32, #tpu.memory_space<vmem>>) semaphore(%arg7 : memref<!tpu.dma_semaphore, #tpu.memory_space<semaphore_mem>>)
    %dma_start3A_45 = arith.constant 2 : i32
    %dma_start3A_46 = arith.constant 256 : i32
    %dma_start3A_47 = arith.constant 0 : i32
    %dma_start3A_48 = tpu.memref_slice %arg6[%dma_start3A_46, %dma_start3A_47] : memref<1024x32xf32, #tpu.memory_space<vmem>> -> memref<128x32xf32, #tpu.memory_space<vmem>>
    %dma_start3A_49 = arith.constant 0 : i32
    %dma_start3A_50 = tpu.memref_slice %arg5[%dma_start3A_45, %dma_start3A_49] : memref<8x128xi32, #tpu.memory_space<vmem>> -> memref<1x128xi32, #tpu.memory_space<vmem>>
    %dma_start3A_51 = tpu.memref_squeeze %dma_start3A_50 : memref<1x128xi32, #tpu.memory_space<vmem>> -> memref<128xi32, #tpu.memory_space<vmem>>
    %dma_start3A_52 = arith.constant 0 : i32
    %dma_start3A_53 = arith.constant 0 : i32
    %dma_start3A_54 = tpu.memref_slice %arg2[%dma_start3A_52, %dma_start3A_53] : memref<8192x32xf32, #tpu.memory_space<hbm>> -> memref<8192x32xf32, #tpu.memory_space<hbm>>
    tpu.enqueue_indirect_dma source(%dma_start3A_54 : memref<8192x32xf32, #tpu.memory_space<hbm>>) target(%dma_start3A_48 : memref<128x32xf32, #tpu.memory_space<vmem>>) offsets(%dma_start3A_51 : memref<128xi32, #tpu.memory_space<vmem>>) semaphore(%arg7 : memref<!tpu.dma_semaphore, #tpu.memory_space<semaphore_mem>>)
    %dma_start3A_55 = arith.constant 3 : i32
    %dma_start3A_56 = arith.constant 384 : i32
    %dma_start3A_57 = arith.constant 0 : i32
    %dma_start3A_58 = tpu.memref_slice %arg6[%dma_start3A_56, %dma_start3A_57] : memref<1024x32xf32, #tpu.memory_space<vmem>> -> memref<128x32xf32, #tpu.memory_space<vmem>>
    %dma_start3A_59 = arith.constant 0 : i32
    %dma_start3A_60 = tpu.memref_slice %arg5[%dma_start3A_55, %dma_start3A_59] : memref<8x128xi32, #tpu.memory_space<vmem>> -> memref<1x128xi32, #tpu.memory_space<vmem>>
    %dma_start3A_61 = tpu.memref_squeeze %dma_start3A_60 : memref<1x128xi32, #tpu.memory_space<vmem>> -> memref<128xi32, #tpu.memory_space<vmem>>
    %dma_start3A_62 = arith.constant 0 : i32
    %dma_start3A_63 = arith.constant 0 : i32
    %dma_start3A_64 = tpu.memref_slice %arg2[%dma_start3A_62, %dma_start3A_63] : memref<8192x32xf32, #tpu.memory_space<hbm>> -> memref<8192x32xf32, #tpu.memory_space<hbm>>
    tpu.enqueue_indirect_dma source(%dma_start3A_64 : memref<8192x32xf32, #tpu.memory_space<hbm>>) target(%dma_start3A_58 : memref<128x32xf32, #tpu.memory_space<vmem>>) offsets(%dma_start3A_61 : memref<128xi32, #tpu.memory_space<vmem>>) semaphore(%arg7 : memref<!tpu.dma_semaphore, #tpu.memory_space<semaphore_mem>>)
    %dma_start3A_65 = arith.constant 4 : i32
    %dma_start3A_66 = arith.constant 512 : i32
    %dma_start3A_67 = arith.constant 0 : i32
    %dma_start3A_68 = tpu.memref_slice %arg6[%dma_start3A_66, %dma_start3A_67] : memref<1024x32xf32, #tpu.memory_space<vmem>> -> memref<128x32xf32, #tpu.memory_space<vmem>>
    %dma_start3A_69 = arith.constant 0 : i32
    %dma_start3A_70 = tpu.memref_slice %arg5[%dma_start3A_65, %dma_start3A_69] : memref<8x128xi32, #tpu.memory_space<vmem>> -> memref<1x128xi32, #tpu.memory_space<vmem>>
    %dma_start3A_71 = tpu.memref_squeeze %dma_start3A_70 : memref<1x128xi32, #tpu.memory_space<vmem>> -> memref<128xi32, #tpu.memory_space<vmem>>
    %dma_start3A_72 = arith.constant 0 : i32
    %dma_start3A_73 = arith.constant 0 : i32
    %dma_start3A_74 = tpu.memref_slice %arg2[%dma_start3A_72, %dma_start3A_73] : memref<8192x32xf32, #tpu.memory_space<hbm>> -> memref<8192x32xf32, #tpu.memory_space<hbm>>
    tpu.enqueue_indirect_dma source(%dma_start3A_74 : memref<8192x32xf32, #tpu.memory_space<hbm>>) target(%dma_start3A_68 : memref<128x32xf32, #tpu.memory_space<vmem>>) offsets(%dma_start3A_71 : memref<128xi32, #tpu.memory_space<vmem>>) semaphore(%arg7 : memref<!tpu.dma_semaphore, #tpu.memory_space<semaphore_mem>>)
    %dma_start3A_75 = arith.constant 5 : i32
    %dma_start3A_76 = arith.constant 640 : i32
    %dma_start3A_77 = arith.constant 0 : i32
    %dma_start3A_78 = tpu.memref_slice %arg6[%dma_start3A_76, %dma_start3A_77] : memref<1024x32xf32, #tpu.memory_space<vmem>> -> memref<128x32xf32, #tpu.memory_space<vmem>>
    %dma_start3A_79 = arith.constant 0 : i32
    %dma_start3A_80 = tpu.memref_slice %arg5[%dma_start3A_75, %dma_start3A_79] : memref<8x128xi32, #tpu.memory_space<vmem>> -> memref<1x128xi32, #tpu.memory_space<vmem>>
    %dma_start3A_81 = tpu.memref_squeeze %dma_start3A_80 : memref<1x128xi32, #tpu.memory_space<vmem>> -> memref<128xi32, #tpu.memory_space<vmem>>
    %dma_start3A_82 = arith.constant 0 : i32
    %dma_start3A_83 = arith.constant 0 : i32
    %dma_start3A_84 = tpu.memref_slice %arg2[%dma_start3A_82, %dma_start3A_83] : memref<8192x32xf32, #tpu.memory_space<hbm>> -> memref<8192x32xf32, #tpu.memory_space<hbm>>
    tpu.enqueue_indirect_dma source(%dma_start3A_84 : memref<8192x32xf32, #tpu.memory_space<hbm>>) target(%dma_start3A_78 : memref<128x32xf32, #tpu.memory_space<vmem>>) offsets(%dma_start3A_81 : memref<128xi32, #tpu.memory_space<vmem>>) semaphore(%arg7 : memref<!tpu.dma_semaphore, #tpu.memory_space<semaphore_mem>>)
    %dma_start3A_85 = arith.constant 6 : i32
    %dma_start3A_86 = arith.constant 768 : i32
    %dma_start3A_87 = arith.constant 0 : i32
    %dma_start3A_88 = tpu.memref_slice %arg6[%dma_start3A_86, %dma_start3A_87] : memref<1024x32xf32, #tpu.memory_space<vmem>> -> memref<128x32xf32, #tpu.memory_space<vmem>>
    %dma_start3A_89 = arith.constant 0 : i32
    %dma_start3A_90 = tpu.memref_slice %arg5[%dma_start3A_85, %dma_start3A_89] : memref<8x128xi32, #tpu.memory_space<vmem>> -> memref<1x128xi32, #tpu.memory_space<vmem>>
    %dma_start3A_91 = tpu.memref_squeeze %dma_start3A_90 : memref<1x128xi32, #tpu.memory_space<vmem>> -> memref<128xi32, #tpu.memory_space<vmem>>
    %dma_start3A_92 = arith.constant 0 : i32
    %dma_start3A_93 = arith.constant 0 : i32
    %dma_start3A_94 = tpu.memref_slice %arg2[%dma_start3A_92, %dma_start3A_93] : memref<8192x32xf32, #tpu.memory_space<hbm>> -> memref<8192x32xf32, #tpu.memory_space<hbm>>
    tpu.enqueue_indirect_dma source(%dma_start3A_94 : memref<8192x32xf32, #tpu.memory_space<hbm>>) target(%dma_start3A_88 : memref<128x32xf32, #tpu.memory_space<vmem>>) offsets(%dma_start3A_91 : memref<128xi32, #tpu.memory_space<vmem>>) semaphore(%arg7 : memref<!tpu.dma_semaphore, #tpu.memory_space<semaphore_mem>>)
    %dma_start3A_95 = arith.constant 7 : i32
    %dma_start3A_96 = arith.constant 896 : i32
    %dma_start3A_97 = arith.constant 0 : i32
    %dma_start3A_98 = tpu.memref_slice %arg6[%dma_start3A_96, %dma_start3A_97] : memref<1024x32xf32, #tpu.memory_space<vmem>> -> memref<128x32xf32, #tpu.memory_space<vmem>>
    %dma_start3A_99 = arith.constant 0 : i32
    %dma_start3A_100 = tpu.memref_slice %arg5[%dma_start3A_95, %dma_start3A_99] : memref<8x128xi32, #tpu.memory_space<vmem>> -> memref<1x128xi32, #tpu.memory_space<vmem>>
    %dma_start3A_101 = tpu.memref_squeeze %dma_start3A_100 : memref<1x128xi32, #tpu.memory_space<vmem>> -> memref<128xi32, #tpu.memory_space<vmem>>
    %dma_start3A_102 = arith.constant 0 : i32
    %dma_start3A_103 = arith.constant 0 : i32
    %dma_start3A_104 = tpu.memref_slice %arg2[%dma_start3A_102, %dma_start3A_103] : memref<8192x32xf32, #tpu.memory_space<hbm>> -> memref<8192x32xf32, #tpu.memory_space<hbm>>
    tpu.enqueue_indirect_dma source(%dma_start3A_104 : memref<8192x32xf32, #tpu.memory_space<hbm>>) target(%dma_start3A_98 : memref<128x32xf32, #tpu.memory_space<vmem>>) offsets(%dma_start3A_101 : memref<128xi32, #tpu.memory_space<vmem>>) semaphore(%arg7 : memref<!tpu.dma_semaphore, #tpu.memory_space<semaphore_mem>>)
    %dma_wait3A = arith.constant 0 : i32
    %dma_wait3A_105 = arith.constant 0 : i32
    %dma_wait3A_106 = arith.constant 0 : i32
    %dma_wait3A_107 = tpu.memref_slice %arg6[%dma_wait3A_105, %dma_wait3A_106] : memref<1024x32xf32, #tpu.memory_space<vmem>> -> memref<128x32xf32, #tpu.memory_space<vmem>>
    %dma_wait3A_108 = arith.constant 0 : i32
    %dma_wait3A_109 = tpu.memref_slice %arg5[%dma_wait3A, %dma_wait3A_108] : memref<8x128xi32, #tpu.memory_space<vmem>> -> memref<1x128xi32, #tpu.memory_space<vmem>>
    %dma_wait3A_110 = tpu.memref_squeeze %dma_wait3A_109 : memref<1x128xi32, #tpu.memory_space<vmem>> -> memref<128xi32, #tpu.memory_space<vmem>>
    %dma_wait3A_111 = arith.constant 0 : i32
    %dma_wait3A_112 = arith.constant 0 : i32
    %dma_wait3A_113 = tpu.memref_slice %arg2[%dma_wait3A_111, %dma_wait3A_112] : memref<8192x32xf32, #tpu.memory_space<hbm>> -> memref<8192x32xf32, #tpu.memory_space<hbm>>
    tpu.wait_indirect_dma semaphore(%arg7 : memref<!tpu.dma_semaphore, #tpu.memory_space<semaphore_mem>>) src(%dma_wait3A_113 : memref<8192x32xf32, #tpu.memory_space<hbm>>) dst(%dma_wait3A_107 : memref<128x32xf32, #tpu.memory_space<vmem>>)
    %dma_wait3A_114 = arith.constant 1 : i32
    %dma_wait3A_115 = arith.constant 128 : i32
    %dma_wait3A_116 = arith.constant 0 : i32
    %dma_wait3A_117 = tpu.memref_slice %arg6[%dma_wait3A_115, %dma_wait3A_116] : memref<1024x32xf32, #tpu.memory_space<vmem>> -> memref<128x32xf32, #tpu.memory_space<vmem>>
    %dma_wait3A_118 = arith.constant 0 : i32
    %dma_wait3A_119 = tpu.memref_slice %arg5[%dma_wait3A_114, %dma_wait3A_118] : memref<8x128xi32, #tpu.memory_space<vmem>> -> memref<1x128xi32, #tpu.memory_space<vmem>>
    %dma_wait3A_120 = tpu.memref_squeeze %dma_wait3A_119 : memref<1x128xi32, #tpu.memory_space<vmem>> -> memref<128xi32, #tpu.memory_space<vmem>>
    %dma_wait3A_121 = arith.constant 0 : i32
    %dma_wait3A_122 = arith.constant 0 : i32
    %dma_wait3A_123 = tpu.memref_slice %arg2[%dma_wait3A_121, %dma_wait3A_122] : memref<8192x32xf32, #tpu.memory_space<hbm>> -> memref<8192x32xf32, #tpu.memory_space<hbm>>
    tpu.wait_indirect_dma semaphore(%arg7 : memref<!tpu.dma_semaphore, #tpu.memory_space<semaphore_mem>>) src(%dma_wait3A_123 : memref<8192x32xf32, #tpu.memory_space<hbm>>) dst(%dma_wait3A_117 : memref<128x32xf32, #tpu.memory_space<vmem>>)
    %dma_wait3A_124 = arith.constant 2 : i32
    %dma_wait3A_125 = arith.constant 256 : i32
    %dma_wait3A_126 = arith.constant 0 : i32
    %dma_wait3A_127 = tpu.memref_slice %arg6[%dma_wait3A_125, %dma_wait3A_126] : memref<1024x32xf32, #tpu.memory_space<vmem>> -> memref<128x32xf32, #tpu.memory_space<vmem>>
    %dma_wait3A_128 = arith.constant 0 : i32
    %dma_wait3A_129 = tpu.memref_slice %arg5[%dma_wait3A_124, %dma_wait3A_128] : memref<8x128xi32, #tpu.memory_space<vmem>> -> memref<1x128xi32, #tpu.memory_space<vmem>>
    %dma_wait3A_130 = tpu.memref_squeeze %dma_wait3A_129 : memref<1x128xi32, #tpu.memory_space<vmem>> -> memref<128xi32, #tpu.memory_space<vmem>>
    %dma_wait3A_131 = arith.constant 0 : i32
    %dma_wait3A_132 = arith.constant 0 : i32
    %dma_wait3A_133 = tpu.memref_slice %arg2[%dma_wait3A_131, %dma_wait3A_132] : memref<8192x32xf32, #tpu.memory_space<hbm>> -> memref<8192x32xf32, #tpu.memory_space<hbm>>
    tpu.wait_indirect_dma semaphore(%arg7 : memref<!tpu.dma_semaphore, #tpu.memory_space<semaphore_mem>>) src(%dma_wait3A_133 : memref<8192x32xf32, #tpu.memory_space<hbm>>) dst(%dma_wait3A_127 : memref<128x32xf32, #tpu.memory_space<vmem>>)
    %dma_wait3A_134 = arith.constant 3 : i32
    %dma_wait3A_135 = arith.constant 384 : i32
    %dma_wait3A_136 = arith.constant 0 : i32
    %dma_wait3A_137 = tpu.memref_slice %arg6[%dma_wait3A_135, %dma_wait3A_136] : memref<1024x32xf32, #tpu.memory_space<vmem>> -> memref<128x32xf32, #tpu.memory_space<vmem>>
    %dma_wait3A_138 = arith.constant 0 : i32
    %dma_wait3A_139 = tpu.memref_slice %arg5[%dma_wait3A_134, %dma_wait3A_138] : memref<8x128xi32, #tpu.memory_space<vmem>> -> memref<1x128xi32, #tpu.memory_space<vmem>>
    %dma_wait3A_140 = tpu.memref_squeeze %dma_wait3A_139 : memref<1x128xi32, #tpu.memory_space<vmem>> -> memref<128xi32, #tpu.memory_space<vmem>>
    %dma_wait3A_141 = arith.constant 0 : i32
    %dma_wait3A_142 = arith.constant 0 : i32
    %dma_wait3A_143 = tpu.memref_slice %arg2[%dma_wait3A_141, %dma_wait3A_142] : memref<8192x32xf32, #tpu.memory_space<hbm>> -> memref<8192x32xf32, #tpu.memory_space<hbm>>
    tpu.wait_indirect_dma semaphore(%arg7 : memref<!tpu.dma_semaphore, #tpu.memory_space<semaphore_mem>>) src(%dma_wait3A_143 : memref<8192x32xf32, #tpu.memory_space<hbm>>) dst(%dma_wait3A_137 : memref<128x32xf32, #tpu.memory_space<vmem>>)
    %dma_wait3A_144 = arith.constant 4 : i32
    %dma_wait3A_145 = arith.constant 512 : i32
    %dma_wait3A_146 = arith.constant 0 : i32
    %dma_wait3A_147 = tpu.memref_slice %arg6[%dma_wait3A_145, %dma_wait3A_146] : memref<1024x32xf32, #tpu.memory_space<vmem>> -> memref<128x32xf32, #tpu.memory_space<vmem>>
    %dma_wait3A_148 = arith.constant 0 : i32
    %dma_wait3A_149 = tpu.memref_slice %arg5[%dma_wait3A_144, %dma_wait3A_148] : memref<8x128xi32, #tpu.memory_space<vmem>> -> memref<1x128xi32, #tpu.memory_space<vmem>>
    %dma_wait3A_150 = tpu.memref_squeeze %dma_wait3A_149 : memref<1x128xi32, #tpu.memory_space<vmem>> -> memref<128xi32, #tpu.memory_space<vmem>>
    %dma_wait3A_151 = arith.constant 0 : i32
    %dma_wait3A_152 = arith.constant 0 : i32
    %dma_wait3A_153 = tpu.memref_slice %arg2[%dma_wait3A_151, %dma_wait3A_152] : memref<8192x32xf32, #tpu.memory_space<hbm>> -> memref<8192x32xf32, #tpu.memory_space<hbm>>
    tpu.wait_indirect_dma semaphore(%arg7 : memref<!tpu.dma_semaphore, #tpu.memory_space<semaphore_mem>>) src(%dma_wait3A_153 : memref<8192x32xf32, #tpu.memory_space<hbm>>) dst(%dma_wait3A_147 : memref<128x32xf32, #tpu.memory_space<vmem>>)
    %dma_wait3A_154 = arith.constant 5 : i32
    %dma_wait3A_155 = arith.constant 640 : i32
    %dma_wait3A_156 = arith.constant 0 : i32
    %dma_wait3A_157 = tpu.memref_slice %arg6[%dma_wait3A_155, %dma_wait3A_156] : memref<1024x32xf32, #tpu.memory_space<vmem>> -> memref<128x32xf32, #tpu.memory_space<vmem>>
    %dma_wait3A_158 = arith.constant 0 : i32
    %dma_wait3A_159 = tpu.memref_slice %arg5[%dma_wait3A_154, %dma_wait3A_158] : memref<8x128xi32, #tpu.memory_space<vmem>> -> memref<1x128xi32, #tpu.memory_space<vmem>>
    %dma_wait3A_160 = tpu.memref_squeeze %dma_wait3A_159 : memref<1x128xi32, #tpu.memory_space<vmem>> -> memref<128xi32, #tpu.memory_space<vmem>>
    %dma_wait3A_161 = arith.constant 0 : i32
    %dma_wait3A_162 = arith.constant 0 : i32
    %dma_wait3A_163 = tpu.memref_slice %arg2[%dma_wait3A_161, %dma_wait3A_162] : memref<8192x32xf32, #tpu.memory_space<hbm>> -> memref<8192x32xf32, #tpu.memory_space<hbm>>
    tpu.wait_indirect_dma semaphore(%arg7 : memref<!tpu.dma_semaphore, #tpu.memory_space<semaphore_mem>>) src(%dma_wait3A_163 : memref<8192x32xf32, #tpu.memory_space<hbm>>) dst(%dma_wait3A_157 : memref<128x32xf32, #tpu.memory_space<vmem>>)
    %dma_wait3A_164 = arith.constant 6 : i32
    %dma_wait3A_165 = arith.constant 768 : i32
    %dma_wait3A_166 = arith.constant 0 : i32
    %dma_wait3A_167 = tpu.memref_slice %arg6[%dma_wait3A_165, %dma_wait3A_166] : memref<1024x32xf32, #tpu.memory_space<vmem>> -> memref<128x32xf32, #tpu.memory_space<vmem>>
    %dma_wait3A_168 = arith.constant 0 : i32
    %dma_wait3A_169 = tpu.memref_slice %arg5[%dma_wait3A_164, %dma_wait3A_168] : memref<8x128xi32, #tpu.memory_space<vmem>> -> memref<1x128xi32, #tpu.memory_space<vmem>>
    %dma_wait3A_170 = tpu.memref_squeeze %dma_wait3A_169 : memref<1x128xi32, #tpu.memory_space<vmem>> -> memref<128xi32, #tpu.memory_space<vmem>>
    %dma_wait3A_171 = arith.constant 0 : i32
    %dma_wait3A_172 = arith.constant 0 : i32
    %dma_wait3A_173 = tpu.memref_slice %arg2[%dma_wait3A_171, %dma_wait3A_172] : memref<8192x32xf32, #tpu.memory_space<hbm>> -> memref<8192x32xf32, #tpu.memory_space<hbm>>
    tpu.wait_indirect_dma semaphore(%arg7 : memref<!tpu.dma_semaphore, #tpu.memory_space<semaphore_mem>>) src(%dma_wait3A_173 : memref<8192x32xf32, #tpu.memory_space<hbm>>) dst(%dma_wait3A_167 : memref<128x32xf32, #tpu.memory_space<vmem>>)
    %dma_wait3A_174 = arith.constant 7 : i32
    %dma_wait3A_175 = arith.constant 896 : i32
    %dma_wait3A_176 = arith.constant 0 : i32
    %dma_wait3A_177 = tpu.memref_slice %arg6[%dma_wait3A_175, %dma_wait3A_176] : memref<1024x32xf32, #tpu.memory_space<vmem>> -> memref<128x32xf32, #tpu.memory_space<vmem>>
    %dma_wait3A_178 = arith.constant 0 : i32
    %dma_wait3A_179 = tpu.memref_slice %arg5[%dma_wait3A_174, %dma_wait3A_178] : memref<8x128xi32, #tpu.memory_space<vmem>> -> memref<1x128xi32, #tpu.memory_space<vmem>>
    %dma_wait3A_180 = tpu.memref_squeeze %dma_wait3A_179 : memref<1x128xi32, #tpu.memory_space<vmem>> -> memref<128xi32, #tpu.memory_space<vmem>>
    %dma_wait3A_181 = arith.constant 0 : i32
    %dma_wait3A_182 = arith.constant 0 : i32
    %dma_wait3A_183 = tpu.memref_slice %arg2[%dma_wait3A_181, %dma_wait3A_182] : memref<8192x32xf32, #tpu.memory_space<hbm>> -> memref<8192x32xf32, #tpu.memory_space<hbm>>
    tpu.wait_indirect_dma semaphore(%arg7 : memref<!tpu.dma_semaphore, #tpu.memory_space<semaphore_mem>>) src(%dma_wait3A_183 : memref<8192x32xf32, #tpu.memory_space<hbm>>) dst(%dma_wait3A_177 : memref<128x32xf32, #tpu.memory_space<vmem>>)
    "tpu.region"() ({
      %run_scoped3A_184 = tpu.sem_alloc : memref<!tpu.dma_semaphore, #tpu.memory_space<semaphore_mem>>
      %dma_start3A_185 = arith.constant 0 : i32
      %dma_start3A_186 = tpu.memref_slice %arg4[%mul3A_2, %dma_start3A_185] : memref<32768x32xf32, #tpu.memory_space<hbm>> -> memref<1024x32xf32, #tpu.memory_space<hbm>>
      %dma_start3A_187 = arith.constant 0 : i32
      %dma_start3A_188 = tpu.memref_slice %arg4[%mul3A_2, %dma_start3A_187] : memref<32768x32xf32, #tpu.memory_space<hbm>> -> memref<1024x32xf32, #tpu.memory_space<hbm>>
      tpu.enqueue_dma source(%arg6 : memref<1024x32xf32, #tpu.memory_space<vmem>>) target(%dma_start3A_188 : memref<1024x32xf32, #tpu.memory_space<hbm>>) target_semaphore(%run_scoped3A_184 : memref<!tpu.dma_semaphore, #tpu.memory_space<semaphore_mem>>)
      %dma_wait3A_189 = arith.constant 0 : i32
      %dma_wait3A_190 = tpu.memref_slice %arg4[%mul3A_2, %dma_wait3A_189] : memref<32768x32xf32, #tpu.memory_space<hbm>> -> memref<1024x32xf32, #tpu.memory_space<hbm>>
      %dma_wait3A_191 = arith.constant 0 : i32
      %dma_wait3A_192 = tpu.memref_slice %arg4[%mul3A_2, %dma_wait3A_191] : memref<32768x32xf32, #tpu.memory_space<hbm>> -> memref<1024x32xf32, #tpu.memory_space<hbm>>
      tpu.wait_dma2 semaphore(%run_scoped3A_184 : memref<!tpu.dma_semaphore, #tpu.memory_space<semaphore_mem>>) src(%arg6 : memref<1024x32xf32, #tpu.memory_space<vmem>>) dst(%dma_wait3A_192 : memref<1024x32xf32, #tpu.memory_space<hbm>>)
      tpu.yield
    }) : () -> ()
    return
  }
}

module attributes {stable_mosaic.version = 14 : i64} {
  func.func @_dist_argmin_body(%arg0: i32, %arg1: memref<512x32xf32, #tpu.memory_space<vmem>>, %arg2: memref<8192x32xf32, #tpu.memory_space<vmem>>, %arg3: memref<512xi32, #tpu.memory_space<vmem>>, %arg4: memref<32x8192xf32, #tpu.memory_space<vmem>>, %arg5: memref<1x8192xf32, #tpu.memory_space<vmem>>) attributes {dimension_semantics = [#tpu.dimension_semantics<arbitrary>], iteration_bounds = array<i64: 64>, scalar_prefetch = 0 : i64, scratch_operands = 2 : i64, tpu.core_type = #tpu.core_type<tc>, window_params = [{transform_indices = @transform_0, window_bounds = array<i64: 512, 32>}, {pipeline_mode = #tpu.pipeline_mode<synchronous>, transform_indices = @transform_1, window_bounds = array<i64: 8192, 32>}, {transform_indices = @transform_2, window_bounds = array<i64: 512>}]} {
    %eq3A = arith.constant 0 : i32
    %eq3A_0 = arith.cmpi eq, %arg0, %eq3A : i32
    %convert_element_type3A = arith.extui %eq3A_0 : i1 to i32
    %cond3A = arith.constant 0 : i32
    %cond3A_1 = arith.cmpi ne, %convert_element_type3A, %cond3A : i32
    scf.if %cond3A_1 {
      %get3A_724 = arith.constant 0 : index
      %get3A_725 = arith.constant 0 : index
      %get3A_726 = vector.load %arg2[%get3A_724, %get3A_725] : memref<8192x32xf32, #tpu.memory_space<vmem>>, vector<8192x32xf32>
      %transpose3A = tpu.transpose %get3A_726, [1, 0] : vector<8192x32xf32> -> vector<32x8192xf32>
      %mul3A_727 = arith.constant -2.000000e+00 : f32
      %mul3A_728 = vector.broadcast %mul3A_727 : f32 to vector<32x8192xf32>
      %mul3A_729 = arith.mulf %transpose3A, %mul3A_728 : vector<32x8192xf32>
      %swap3A_730 = arith.constant 0 : index
      %swap3A_731 = arith.constant 0 : index
      %swap3A_732 = vector.load %arg4[%swap3A_730, %swap3A_731] : memref<32x8192xf32, #tpu.memory_space<vmem>>, vector<32x8192xf32>
      tpu.vector_store %arg4[%swap3A_730, %swap3A_731], %mul3A_729 {strides = array<i32>} : memref<32x8192xf32, #tpu.memory_space<vmem>>, vector<32x8192xf32>,
      %mul3A_733 = arith.mulf %mul3A_729, %mul3A_729 : vector<32x8192xf32>
      %reduce_sum3A_734 = arith.constant dense<0.000000e+00> : vector<8192xf32>
      %reduce_sum3A_735 = vector.multi_reduction <add>, %mul3A_733, %reduce_sum3A_734 [0] : vector<32x8192xf32> to vector<8192xf32>
      %broadcast_in_dim3A_736 = vector.shape_cast %reduce_sum3A_735 : vector<8192xf32> to vector<1x8192xf32>
      %mul3A_737 = arith.constant 2.500000e-01 : f32
      %mul3A_738 = vector.broadcast %mul3A_737 : f32 to vector<1x8192xf32>
      %mul3A_739 = arith.mulf %mul3A_738, %broadcast_in_dim3A_736 : vector<1x8192xf32>
      %swap3A_740 = arith.constant 0 : index
      %swap3A_741 = arith.constant 0 : index
      %swap3A_742 = vector.load %arg5[%swap3A_740, %swap3A_741] : memref<1x8192xf32, #tpu.memory_space<vmem>>, vector<1x8192xf32>
      tpu.vector_store %arg5[%swap3A_740, %swap3A_741], %mul3A_739 {strides = array<i32>} : memref<1x8192xf32, #tpu.memory_space<vmem>>, vector<1x8192xf32>,
    } else {
    }
    %get3A = arith.constant 0 : index
    %get3A_2 = arith.constant 0 : index
    %get3A_3 = vector.load %arg1[%get3A, %get3A_2] : memref<512x32xf32, #tpu.memory_space<vmem>>, vector<512x32xf32>
    %get3A_4 = arith.constant 0 : index
    %get3A_5 = arith.constant 0 : index
    %get3A_6 = vector.load %arg4[%get3A_4, %get3A_5] : memref<32x8192xf32, #tpu.memory_space<vmem>>, vector<32x8192xf32>
    %dot_general3A = arith.constant dense<0.000000e+00> : vector<512x8192xf32>
    %dot_general3A_7 = tpu.matmul %get3A_3, %get3A_6, %dot_general3A {dimension_numbers = #tpu.dot_dimension_numbers<[1], [0], [0], [1], [0, 0, 1, 1], [], []>, transpose_lhs_hint = false} : vector<512x32xf32>, vector<32x8192xf32>, vector<512x8192xf32> -> vector<512x8192xf32>
    %mul3A = arith.mulf %get3A_3, %get3A_3 : vector<512x32xf32>
    %reduce_sum3A = arith.constant dense<0.000000e+00> : vector<512xf32>
    %reduce_sum3A_8 = vector.multi_reduction <add>, %mul3A, %reduce_sum3A [1] : vector<512x32xf32> to vector<512xf32>
    %broadcast_in_dim3A = vector.shape_cast %reduce_sum3A_8 : vector<512xf32> to vector<512x1xf32>
    %get3A_9 = arith.constant 0 : index
    %get3A_10 = arith.constant 0 : index
    %get3A_11 = vector.load %arg5[%get3A_9, %get3A_10] : memref<1x8192xf32, #tpu.memory_space<vmem>>, vector<1x8192xf32>
    %broadcast_in_dim3A_12 = arith.constant 0.000000e+00 : f32
    %broadcast_in_dim3A_13 = vector.broadcast %broadcast_in_dim3A_12 : f32 to vector<512x128xf32>
    %slice3A = vector.extract_strided_slice %get3A_11 {offsets = [0, 0], sizes = [1, 128], strides = [1, 1]} : vector<1x8192xf32> to vector<1x128xf32>
    %add3A = vector.broadcast %broadcast_in_dim3A : vector<512x1xf32> to vector<512x128xf32>
    %add3A_14 = vector.broadcast %slice3A : vector<1x128xf32> to vector<512x128xf32>
    %add3A_15 = arith.addf %add3A, %add3A_14 : vector<512x128xf32>
    %slice3A_16 = vector.extract_strided_slice %dot_general3A_7 {offsets = [0, 0], sizes = [512, 128], strides = [1, 1]} : vector<512x8192xf32> to vector<512x128xf32>
    %add3A_17 = arith.addf %add3A_15, %slice3A_16 : vector<512x128xf32>
    %slice3A_18 = vector.extract_strided_slice %get3A_11 {offsets = [0, 128], sizes = [1, 128], strides = [1, 1]} : vector<1x8192xf32> to vector<1x128xf32>
    %add3A_19 = vector.broadcast %broadcast_in_dim3A : vector<512x1xf32> to vector<512x128xf32>
    %add3A_20 = vector.broadcast %slice3A_18 : vector<1x128xf32> to vector<512x128xf32>
    %add3A_21 = arith.addf %add3A_19, %add3A_20 : vector<512x128xf32>
    %slice3A_22 = vector.extract_strided_slice %dot_general3A_7 {offsets = [0, 128], sizes = [512, 128], strides = [1, 1]} : vector<512x8192xf32> to vector<512x128xf32>
    %add3A_23 = arith.addf %add3A_21, %slice3A_22 : vector<512x128xf32>
    %lt3A = arith.cmpf olt, %add3A_23, %add3A_17 : vector<512x128xf32>
    %select_n3A = arith.select %lt3A, %add3A_23, %add3A_17 : vector<512x128xi1>, vector<512x128xf32>
    %jit3A = arith.constant 1.000000e+00 : f32
    %broadcast_in_dim3A_24 = vector.broadcast %jit3A : f32 to vector<512x128xf32>
    %select_n3A_25 = arith.select %lt3A, %broadcast_in_dim3A_24, %broadcast_in_dim3A_13 : vector<512x128xi1>, vector<512x128xf32>
    %slice3A_26 = vector.extract_strided_slice %get3A_11 {offsets = [0, 256], sizes = [1, 128], strides = [1, 1]} : vector<1x8192xf32> to vector<1x128xf32>
    %add3A_27 = vector.broadcast %broadcast_in_dim3A : vector<512x1xf32> to vector<512x128xf32>
    %add3A_28 = vector.broadcast %slice3A_26 : vector<1x128xf32> to vector<512x128xf32>
    %add3A_29 = arith.addf %add3A_27, %add3A_28 : vector<512x128xf32>
    %slice3A_30 = vector.extract_strided_slice %dot_general3A_7 {offsets = [0, 256], sizes = [512, 128], strides = [1, 1]} : vector<512x8192xf32> to vector<512x128xf32>
    %add3A_31 = arith.addf %add3A_29, %slice3A_30 : vector<512x128xf32>
    %lt3A_32 = arith.cmpf olt, %add3A_31, %select_n3A : vector<512x128xf32>
    %select_n3A_33 = arith.select %lt3A_32, %add3A_31, %select_n3A : vector<512x128xi1>, vector<512x128xf32>
    %jit3A_34 = arith.constant 2.000000e+00 : f32
    %broadcast_in_dim3A_35 = vector.broadcast %jit3A_34 : f32 to vector<512x128xf32>
    %select_n3A_36 = arith.select %lt3A_32, %broadcast_in_dim3A_35, %select_n3A_25 : vector<512x128xi1>, vector<512x128xf32>
    %slice3A_37 = vector.extract_strided_slice %get3A_11 {offsets = [0, 384], sizes = [1, 128], strides = [1, 1]} : vector<1x8192xf32> to vector<1x128xf32>
    %add3A_38 = vector.broadcast %broadcast_in_dim3A : vector<512x1xf32> to vector<512x128xf32>
    %add3A_39 = vector.broadcast %slice3A_37 : vector<1x128xf32> to vector<512x128xf32>
    %add3A_40 = arith.addf %add3A_38, %add3A_39 : vector<512x128xf32>
    %slice3A_41 = vector.extract_strided_slice %dot_general3A_7 {offsets = [0, 384], sizes = [512, 128], strides = [1, 1]} : vector<512x8192xf32> to vector<512x128xf32>
    %add3A_42 = arith.addf %add3A_40, %slice3A_41 : vector<512x128xf32>
    %lt3A_43 = arith.cmpf olt, %add3A_42, %select_n3A_33 : vector<512x128xf32>
    %select_n3A_44 = arith.select %lt3A_43, %add3A_42, %select_n3A_33 : vector<512x128xi1>, vector<512x128xf32>
    %jit3A_45 = arith.constant 3.000000e+00 : f32
    %broadcast_in_dim3A_46 = vector.broadcast %jit3A_45 : f32 to vector<512x128xf32>
    %select_n3A_47 = arith.select %lt3A_43, %broadcast_in_dim3A_46, %select_n3A_36 : vector<512x128xi1>, vector<512x128xf32>
    %slice3A_48 = vector.extract_strided_slice %get3A_11 {offsets = [0, 512], sizes = [1, 128], strides = [1, 1]} : vector<1x8192xf32> to vector<1x128xf32>
    %add3A_49 = vector.broadcast %broadcast_in_dim3A : vector<512x1xf32> to vector<512x128xf32>
    %add3A_50 = vector.broadcast %slice3A_48 : vector<1x128xf32> to vector<512x128xf32>
    %add3A_51 = arith.addf %add3A_49, %add3A_50 : vector<512x128xf32>
    %slice3A_52 = vector.extract_strided_slice %dot_general3A_7 {offsets = [0, 512], sizes = [512, 128], strides = [1, 1]} : vector<512x8192xf32> to vector<512x128xf32>
    %add3A_53 = arith.addf %add3A_51, %slice3A_52 : vector<512x128xf32>
    %lt3A_54 = arith.cmpf olt, %add3A_53, %select_n3A_44 : vector<512x128xf32>
    %select_n3A_55 = arith.select %lt3A_54, %add3A_53, %select_n3A_44 : vector<512x128xi1>, vector<512x128xf32>
    %jit3A_56 = arith.constant 4.000000e+00 : f32
    %broadcast_in_dim3A_57 = vector.broadcast %jit3A_56 : f32 to vector<512x128xf32>
    %select_n3A_58 = arith.select %lt3A_54, %broadcast_in_dim3A_57, %select_n3A_47 : vector<512x128xi1>, vector<512x128xf32>
    %slice3A_59 = vector.extract_strided_slice %get3A_11 {offsets = [0, 640], sizes = [1, 128], strides = [1, 1]} : vector<1x8192xf32> to vector<1x128xf32>
    %add3A_60 = vector.broadcast %broadcast_in_dim3A : vector<512x1xf32> to vector<512x128xf32>
    %add3A_61 = vector.broadcast %slice3A_59 : vector<1x128xf32> to vector<512x128xf32>
    %add3A_62 = arith.addf %add3A_60, %add3A_61 : vector<512x128xf32>
    %slice3A_63 = vector.extract_strided_slice %dot_general3A_7 {offsets = [0, 640], sizes = [512, 128], strides = [1, 1]} : vector<512x8192xf32> to vector<512x128xf32>
    %add3A_64 = arith.addf %add3A_62, %slice3A_63 : vector<512x128xf32>
    %lt3A_65 = arith.cmpf olt, %add3A_64, %select_n3A_55 : vector<512x128xf32>
    %select_n3A_66 = arith.select %lt3A_65, %add3A_64, %select_n3A_55 : vector<512x128xi1>, vector<512x128xf32>
    %jit3A_67 = arith.constant 5.000000e+00 : f32
    %broadcast_in_dim3A_68 = vector.broadcast %jit3A_67 : f32 to vector<512x128xf32>
    %select_n3A_69 = arith.select %lt3A_65, %broadcast_in_dim3A_68, %select_n3A_58 : vector<512x128xi1>, vector<512x128xf32>
    %slice3A_70 = vector.extract_strided_slice %get3A_11 {offsets = [0, 768], sizes = [1, 128], strides = [1, 1]} : vector<1x8192xf32> to vector<1x128xf32>
    %add3A_71 = vector.broadcast %broadcast_in_dim3A : vector<512x1xf32> to vector<512x128xf32>
    %add3A_72 = vector.broadcast %slice3A_70 : vector<1x128xf32> to vector<512x128xf32>
    %add3A_73 = arith.addf %add3A_71, %add3A_72 : vector<512x128xf32>
    %slice3A_74 = vector.extract_strided_slice %dot_general3A_7 {offsets = [0, 768], sizes = [512, 128], strides = [1, 1]} : vector<512x8192xf32> to vector<512x128xf32>
    %add3A_75 = arith.addf %add3A_73, %slice3A_74 : vector<512x128xf32>
    %lt3A_76 = arith.cmpf olt, %add3A_75, %select_n3A_66 : vector<512x128xf32>
    %select_n3A_77 = arith.select %lt3A_76, %add3A_75, %select_n3A_66 : vector<512x128xi1>, vector<512x128xf32>
    %jit3A_78 = arith.constant 6.000000e+00 : f32
    %broadcast_in_dim3A_79 = vector.broadcast %jit3A_78 : f32 to vector<512x128xf32>
    %select_n3A_80 = arith.select %lt3A_76, %broadcast_in_dim3A_79, %select_n3A_69 : vector<512x128xi1>, vector<512x128xf32>
    %slice3A_81 = vector.extract_strided_slice %get3A_11 {offsets = [0, 896], sizes = [1, 128], strides = [1, 1]} : vector<1x8192xf32> to vector<1x128xf32>
    %add3A_82 = vector.broadcast %broadcast_in_dim3A : vector<512x1xf32> to vector<512x128xf32>
    %add3A_83 = vector.broadcast %slice3A_81 : vector<1x128xf32> to vector<512x128xf32>
    %add3A_84 = arith.addf %add3A_82, %add3A_83 : vector<512x128xf32>
    %slice3A_85 = vector.extract_strided_slice %dot_general3A_7 {offsets = [0, 896], sizes = [512, 128], strides = [1, 1]} : vector<512x8192xf32> to vector<512x128xf32>
    %add3A_86 = arith.addf %add3A_84, %slice3A_85 : vector<512x128xf32>
    %lt3A_87 = arith.cmpf olt, %add3A_86, %select_n3A_77 : vector<512x128xf32>
    %select_n3A_88 = arith.select %lt3A_87, %add3A_86, %select_n3A_77 : vector<512x128xi1>, vector<512x128xf32>
    %jit3A_89 = arith.constant 7.000000e+00 : f32
    %broadcast_in_dim3A_90 = vector.broadcast %jit3A_89 : f32 to vector<512x128xf32>
    %select_n3A_91 = arith.select %lt3A_87, %broadcast_in_dim3A_90, %select_n3A_80 : vector<512x128xi1>, vector<512x128xf32>
    %slice3A_92 = vector.extract_strided_slice %get3A_11 {offsets = [0, 1024], sizes = [1, 128], strides = [1, 1]} : vector<1x8192xf32> to vector<1x128xf32>
    %add3A_93 = vector.broadcast %broadcast_in_dim3A : vector<512x1xf32> to vector<512x128xf32>
    %add3A_94 = vector.broadcast %slice3A_92 : vector<1x128xf32> to vector<512x128xf32>
    %add3A_95 = arith.addf %add3A_93, %add3A_94 : vector<512x128xf32>
    %slice3A_96 = vector.extract_strided_slice %dot_general3A_7 {offsets = [0, 1024], sizes = [512, 128], strides = [1, 1]} : vector<512x8192xf32> to vector<512x128xf32>
    %add3A_97 = arith.addf %add3A_95, %slice3A_96 : vector<512x128xf32>
    %lt3A_98 = arith.cmpf olt, %add3A_97, %select_n3A_88 : vector<512x128xf32>
    %select_n3A_99 = arith.select %lt3A_98, %add3A_97, %select_n3A_88 : vector<512x128xi1>, vector<512x128xf32>
    %jit3A_100 = arith.constant 8.000000e+00 : f32
    %broadcast_in_dim3A_101 = vector.broadcast %jit3A_100 : f32 to vector<512x128xf32>
    %select_n3A_102 = arith.select %lt3A_98, %broadcast_in_dim3A_101, %select_n3A_91 : vector<512x128xi1>, vector<512x128xf32>
    %slice3A_103 = vector.extract_strided_slice %get3A_11 {offsets = [0, 1152], sizes = [1, 128], strides = [1, 1]} : vector<1x8192xf32> to vector<1x128xf32>
    %add3A_104 = vector.broadcast %broadcast_in_dim3A : vector<512x1xf32> to vector<512x128xf32>
    %add3A_105 = vector.broadcast %slice3A_103 : vector<1x128xf32> to vector<512x128xf32>
    %add3A_106 = arith.addf %add3A_104, %add3A_105 : vector<512x128xf32>
    %slice3A_107 = vector.extract_strided_slice %dot_general3A_7 {offsets = [0, 1152], sizes = [512, 128], strides = [1, 1]} : vector<512x8192xf32> to vector<512x128xf32>
    %add3A_108 = arith.addf %add3A_106, %slice3A_107 : vector<512x128xf32>
    %lt3A_109 = arith.cmpf olt, %add3A_108, %select_n3A_99 : vector<512x128xf32>
    %select_n3A_110 = arith.select %lt3A_109, %add3A_108, %select_n3A_99 : vector<512x128xi1>, vector<512x128xf32>
    %jit3A_111 = arith.constant 9.000000e+00 : f32
    %broadcast_in_dim3A_112 = vector.broadcast %jit3A_111 : f32 to vector<512x128xf32>
    %select_n3A_113 = arith.select %lt3A_109, %broadcast_in_dim3A_112, %select_n3A_102 : vector<512x128xi1>, vector<512x128xf32>
    %slice3A_114 = vector.extract_strided_slice %get3A_11 {offsets = [0, 1280], sizes = [1, 128], strides = [1, 1]} : vector<1x8192xf32> to vector<1x128xf32>
    %add3A_115 = vector.broadcast %broadcast_in_dim3A : vector<512x1xf32> to vector<512x128xf32>
    %add3A_116 = vector.broadcast %slice3A_114 : vector<1x128xf32> to vector<512x128xf32>
    %add3A_117 = arith.addf %add3A_115, %add3A_116 : vector<512x128xf32>
    %slice3A_118 = vector.extract_strided_slice %dot_general3A_7 {offsets = [0, 1280], sizes = [512, 128], strides = [1, 1]} : vector<512x8192xf32> to vector<512x128xf32>
    %add3A_119 = arith.addf %add3A_117, %slice3A_118 : vector<512x128xf32>
    %lt3A_120 = arith.cmpf olt, %add3A_119, %select_n3A_110 : vector<512x128xf32>
    %select_n3A_121 = arith.select %lt3A_120, %add3A_119, %select_n3A_110 : vector<512x128xi1>, vector<512x128xf32>
    %jit3A_122 = arith.constant 1.000000e+01 : f32
    %broadcast_in_dim3A_123 = vector.broadcast %jit3A_122 : f32 to vector<512x128xf32>
    %select_n3A_124 = arith.select %lt3A_120, %broadcast_in_dim3A_123, %select_n3A_113 : vector<512x128xi1>, vector<512x128xf32>
    %slice3A_125 = vector.extract_strided_slice %get3A_11 {offsets = [0, 1408], sizes = [1, 128], strides = [1, 1]} : vector<1x8192xf32> to vector<1x128xf32>
    %add3A_126 = vector.broadcast %broadcast_in_dim3A : vector<512x1xf32> to vector<512x128xf32>
    %add3A_127 = vector.broadcast %slice3A_125 : vector<1x128xf32> to vector<512x128xf32>
    %add3A_128 = arith.addf %add3A_126, %add3A_127 : vector<512x128xf32>
    %slice3A_129 = vector.extract_strided_slice %dot_general3A_7 {offsets = [0, 1408], sizes = [512, 128], strides = [1, 1]} : vector<512x8192xf32> to vector<512x128xf32>
    %add3A_130 = arith.addf %add3A_128, %slice3A_129 : vector<512x128xf32>
    %lt3A_131 = arith.cmpf olt, %add3A_130, %select_n3A_121 : vector<512x128xf32>
    %select_n3A_132 = arith.select %lt3A_131, %add3A_130, %select_n3A_121 : vector<512x128xi1>, vector<512x128xf32>
    %jit3A_133 = arith.constant 1.100000e+01 : f32
    %broadcast_in_dim3A_134 = vector.broadcast %jit3A_133 : f32 to vector<512x128xf32>
    %select_n3A_135 = arith.select %lt3A_131, %broadcast_in_dim3A_134, %select_n3A_124 : vector<512x128xi1>, vector<512x128xf32>
    %slice3A_136 = vector.extract_strided_slice %get3A_11 {offsets = [0, 1536], sizes = [1, 128], strides = [1, 1]} : vector<1x8192xf32> to vector<1x128xf32>
    %add3A_137 = vector.broadcast %broadcast_in_dim3A : vector<512x1xf32> to vector<512x128xf32>
    %add3A_138 = vector.broadcast %slice3A_136 : vector<1x128xf32> to vector<512x128xf32>
    %add3A_139 = arith.addf %add3A_137, %add3A_138 : vector<512x128xf32>
    %slice3A_140 = vector.extract_strided_slice %dot_general3A_7 {offsets = [0, 1536], sizes = [512, 128], strides = [1, 1]} : vector<512x8192xf32> to vector<512x128xf32>
    %add3A_141 = arith.addf %add3A_139, %slice3A_140 : vector<512x128xf32>
    %lt3A_142 = arith.cmpf olt, %add3A_141, %select_n3A_132 : vector<512x128xf32>
    %select_n3A_143 = arith.select %lt3A_142, %add3A_141, %select_n3A_132 : vector<512x128xi1>, vector<512x128xf32>
    %jit3A_144 = arith.constant 1.200000e+01 : f32
    %broadcast_in_dim3A_145 = vector.broadcast %jit3A_144 : f32 to vector<512x128xf32>
    %select_n3A_146 = arith.select %lt3A_142, %broadcast_in_dim3A_145, %select_n3A_135 : vector<512x128xi1>, vector<512x128xf32>
    %slice3A_147 = vector.extract_strided_slice %get3A_11 {offsets = [0, 1664], sizes = [1, 128], strides = [1, 1]} : vector<1x8192xf32> to vector<1x128xf32>
    %add3A_148 = vector.broadcast %broadcast_in_dim3A : vector<512x1xf32> to vector<512x128xf32>
    %add3A_149 = vector.broadcast %slice3A_147 : vector<1x128xf32> to vector<512x128xf32>
    %add3A_150 = arith.addf %add3A_148, %add3A_149 : vector<512x128xf32>
    %slice3A_151 = vector.extract_strided_slice %dot_general3A_7 {offsets = [0, 1664], sizes = [512, 128], strides = [1, 1]} : vector<512x8192xf32> to vector<512x128xf32>
    %add3A_152 = arith.addf %add3A_150, %slice3A_151 : vector<512x128xf32>
    %lt3A_153 = arith.cmpf olt, %add3A_152, %select_n3A_143 : vector<512x128xf32>
    %select_n3A_154 = arith.select %lt3A_153, %add3A_152, %select_n3A_143 : vector<512x128xi1>, vector<512x128xf32>
    %jit3A_155 = arith.constant 1.300000e+01 : f32
    %broadcast_in_dim3A_156 = vector.broadcast %jit3A_155 : f32 to vector<512x128xf32>
    %select_n3A_157 = arith.select %lt3A_153, %broadcast_in_dim3A_156, %select_n3A_146 : vector<512x128xi1>, vector<512x128xf32>
    %slice3A_158 = vector.extract_strided_slice %get3A_11 {offsets = [0, 1792], sizes = [1, 128], strides = [1, 1]} : vector<1x8192xf32> to vector<1x128xf32>
    %add3A_159 = vector.broadcast %broadcast_in_dim3A : vector<512x1xf32> to vector<512x128xf32>
    %add3A_160 = vector.broadcast %slice3A_158 : vector<1x128xf32> to vector<512x128xf32>
    %add3A_161 = arith.addf %add3A_159, %add3A_160 : vector<512x128xf32>
    %slice3A_162 = vector.extract_strided_slice %dot_general3A_7 {offsets = [0, 1792], sizes = [512, 128], strides = [1, 1]} : vector<512x8192xf32> to vector<512x128xf32>
    %add3A_163 = arith.addf %add3A_161, %slice3A_162 : vector<512x128xf32>
    %lt3A_164 = arith.cmpf olt, %add3A_163, %select_n3A_154 : vector<512x128xf32>
    %select_n3A_165 = arith.select %lt3A_164, %add3A_163, %select_n3A_154 : vector<512x128xi1>, vector<512x128xf32>
    %jit3A_166 = arith.constant 1.400000e+01 : f32
    %broadcast_in_dim3A_167 = vector.broadcast %jit3A_166 : f32 to vector<512x128xf32>
    %select_n3A_168 = arith.select %lt3A_164, %broadcast_in_dim3A_167, %select_n3A_157 : vector<512x128xi1>, vector<512x128xf32>
    %slice3A_169 = vector.extract_strided_slice %get3A_11 {offsets = [0, 1920], sizes = [1, 128], strides = [1, 1]} : vector<1x8192xf32> to vector<1x128xf32>
    %add3A_170 = vector.broadcast %broadcast_in_dim3A : vector<512x1xf32> to vector<512x128xf32>
    %add3A_171 = vector.broadcast %slice3A_169 : vector<1x128xf32> to vector<512x128xf32>
    %add3A_172 = arith.addf %add3A_170, %add3A_171 : vector<512x128xf32>
    %slice3A_173 = vector.extract_strided_slice %dot_general3A_7 {offsets = [0, 1920], sizes = [512, 128], strides = [1, 1]} : vector<512x8192xf32> to vector<512x128xf32>
    %add3A_174 = arith.addf %add3A_172, %slice3A_173 : vector<512x128xf32>
    %lt3A_175 = arith.cmpf olt, %add3A_174, %select_n3A_165 : vector<512x128xf32>
    %select_n3A_176 = arith.select %lt3A_175, %add3A_174, %select_n3A_165 : vector<512x128xi1>, vector<512x128xf32>
    %jit3A_177 = arith.constant 1.500000e+01 : f32
    %broadcast_in_dim3A_178 = vector.broadcast %jit3A_177 : f32 to vector<512x128xf32>
    %select_n3A_179 = arith.select %lt3A_175, %broadcast_in_dim3A_178, %select_n3A_168 : vector<512x128xi1>, vector<512x128xf32>
    %slice3A_180 = vector.extract_strided_slice %get3A_11 {offsets = [0, 2048], sizes = [1, 128], strides = [1, 1]} : vector<1x8192xf32> to vector<1x128xf32>
    %add3A_181 = vector.broadcast %broadcast_in_dim3A : vector<512x1xf32> to vector<512x128xf32>
    %add3A_182 = vector.broadcast %slice3A_180 : vector<1x128xf32> to vector<512x128xf32>
    %add3A_183 = arith.addf %add3A_181, %add3A_182 : vector<512x128xf32>
    %slice3A_184 = vector.extract_strided_slice %dot_general3A_7 {offsets = [0, 2048], sizes = [512, 128], strides = [1, 1]} : vector<512x8192xf32> to vector<512x128xf32>
    %add3A_185 = arith.addf %add3A_183, %slice3A_184 : vector<512x128xf32>
    %lt3A_186 = arith.cmpf olt, %add3A_185, %select_n3A_176 : vector<512x128xf32>
    %select_n3A_187 = arith.select %lt3A_186, %add3A_185, %select_n3A_176 : vector<512x128xi1>, vector<512x128xf32>
    %jit3A_188 = arith.constant 1.600000e+01 : f32
    %broadcast_in_dim3A_189 = vector.broadcast %jit3A_188 : f32 to vector<512x128xf32>
    %select_n3A_190 = arith.select %lt3A_186, %broadcast_in_dim3A_189, %select_n3A_179 : vector<512x128xi1>, vector<512x128xf32>
    %slice3A_191 = vector.extract_strided_slice %get3A_11 {offsets = [0, 2176], sizes = [1, 128], strides = [1, 1]} : vector<1x8192xf32> to vector<1x128xf32>
    %add3A_192 = vector.broadcast %broadcast_in_dim3A : vector<512x1xf32> to vector<512x128xf32>
    %add3A_193 = vector.broadcast %slice3A_191 : vector<1x128xf32> to vector<512x128xf32>
    %add3A_194 = arith.addf %add3A_192, %add3A_193 : vector<512x128xf32>
    %slice3A_195 = vector.extract_strided_slice %dot_general3A_7 {offsets = [0, 2176], sizes = [512, 128], strides = [1, 1]} : vector<512x8192xf32> to vector<512x128xf32>
    %add3A_196 = arith.addf %add3A_194, %slice3A_195 : vector<512x128xf32>
    %lt3A_197 = arith.cmpf olt, %add3A_196, %select_n3A_187 : vector<512x128xf32>
    %select_n3A_198 = arith.select %lt3A_197, %add3A_196, %select_n3A_187 : vector<512x128xi1>, vector<512x128xf32>
    %jit3A_199 = arith.constant 1.700000e+01 : f32
    %broadcast_in_dim3A_200 = vector.broadcast %jit3A_199 : f32 to vector<512x128xf32>
    %select_n3A_201 = arith.select %lt3A_197, %broadcast_in_dim3A_200, %select_n3A_190 : vector<512x128xi1>, vector<512x128xf32>
    %slice3A_202 = vector.extract_strided_slice %get3A_11 {offsets = [0, 2304], sizes = [1, 128], strides = [1, 1]} : vector<1x8192xf32> to vector<1x128xf32>
    %add3A_203 = vector.broadcast %broadcast_in_dim3A : vector<512x1xf32> to vector<512x128xf32>
    %add3A_204 = vector.broadcast %slice3A_202 : vector<1x128xf32> to vector<512x128xf32>
    %add3A_205 = arith.addf %add3A_203, %add3A_204 : vector<512x128xf32>
    %slice3A_206 = vector.extract_strided_slice %dot_general3A_7 {offsets = [0, 2304], sizes = [512, 128], strides = [1, 1]} : vector<512x8192xf32> to vector<512x128xf32>
    %add3A_207 = arith.addf %add3A_205, %slice3A_206 : vector<512x128xf32>
    %lt3A_208 = arith.cmpf olt, %add3A_207, %select_n3A_198 : vector<512x128xf32>
    %select_n3A_209 = arith.select %lt3A_208, %add3A_207, %select_n3A_198 : vector<512x128xi1>, vector<512x128xf32>
    %jit3A_210 = arith.constant 1.800000e+01 : f32
    %broadcast_in_dim3A_211 = vector.broadcast %jit3A_210 : f32 to vector<512x128xf32>
    %select_n3A_212 = arith.select %lt3A_208, %broadcast_in_dim3A_211, %select_n3A_201 : vector<512x128xi1>, vector<512x128xf32>
    %slice3A_213 = vector.extract_strided_slice %get3A_11 {offsets = [0, 2432], sizes = [1, 128], strides = [1, 1]} : vector<1x8192xf32> to vector<1x128xf32>
    %add3A_214 = vector.broadcast %broadcast_in_dim3A : vector<512x1xf32> to vector<512x128xf32>
    %add3A_215 = vector.broadcast %slice3A_213 : vector<1x128xf32> to vector<512x128xf32>
    %add3A_216 = arith.addf %add3A_214, %add3A_215 : vector<512x128xf32>
    %slice3A_217 = vector.extract_strided_slice %dot_general3A_7 {offsets = [0, 2432], sizes = [512, 128], strides = [1, 1]} : vector<512x8192xf32> to vector<512x128xf32>
    %add3A_218 = arith.addf %add3A_216, %slice3A_217 : vector<512x128xf32>
    %lt3A_219 = arith.cmpf olt, %add3A_218, %select_n3A_209 : vector<512x128xf32>
    %select_n3A_220 = arith.select %lt3A_219, %add3A_218, %select_n3A_209 : vector<512x128xi1>, vector<512x128xf32>
    %jit3A_221 = arith.constant 1.900000e+01 : f32
    %broadcast_in_dim3A_222 = vector.broadcast %jit3A_221 : f32 to vector<512x128xf32>
    %select_n3A_223 = arith.select %lt3A_219, %broadcast_in_dim3A_222, %select_n3A_212 : vector<512x128xi1>, vector<512x128xf32>
    %slice3A_224 = vector.extract_strided_slice %get3A_11 {offsets = [0, 2560], sizes = [1, 128], strides = [1, 1]} : vector<1x8192xf32> to vector<1x128xf32>
    %add3A_225 = vector.broadcast %broadcast_in_dim3A : vector<512x1xf32> to vector<512x128xf32>
    %add3A_226 = vector.broadcast %slice3A_224 : vector<1x128xf32> to vector<512x128xf32>
    %add3A_227 = arith.addf %add3A_225, %add3A_226 : vector<512x128xf32>
    %slice3A_228 = vector.extract_strided_slice %dot_general3A_7 {offsets = [0, 2560], sizes = [512, 128], strides = [1, 1]} : vector<512x8192xf32> to vector<512x128xf32>
    %add3A_229 = arith.addf %add3A_227, %slice3A_228 : vector<512x128xf32>
    %lt3A_230 = arith.cmpf olt, %add3A_229, %select_n3A_220 : vector<512x128xf32>
    %select_n3A_231 = arith.select %lt3A_230, %add3A_229, %select_n3A_220 : vector<512x128xi1>, vector<512x128xf32>
    %jit3A_232 = arith.constant 2.000000e+01 : f32
    %broadcast_in_dim3A_233 = vector.broadcast %jit3A_232 : f32 to vector<512x128xf32>
    %select_n3A_234 = arith.select %lt3A_230, %broadcast_in_dim3A_233, %select_n3A_223 : vector<512x128xi1>, vector<512x128xf32>
    %slice3A_235 = vector.extract_strided_slice %get3A_11 {offsets = [0, 2688], sizes = [1, 128], strides = [1, 1]} : vector<1x8192xf32> to vector<1x128xf32>
    %add3A_236 = vector.broadcast %broadcast_in_dim3A : vector<512x1xf32> to vector<512x128xf32>
    %add3A_237 = vector.broadcast %slice3A_235 : vector<1x128xf32> to vector<512x128xf32>
    %add3A_238 = arith.addf %add3A_236, %add3A_237 : vector<512x128xf32>
    %slice3A_239 = vector.extract_strided_slice %dot_general3A_7 {offsets = [0, 2688], sizes = [512, 128], strides = [1, 1]} : vector<512x8192xf32> to vector<512x128xf32>
    %add3A_240 = arith.addf %add3A_238, %slice3A_239 : vector<512x128xf32>
    %lt3A_241 = arith.cmpf olt, %add3A_240, %select_n3A_231 : vector<512x128xf32>
    %select_n3A_242 = arith.select %lt3A_241, %add3A_240, %select_n3A_231 : vector<512x128xi1>, vector<512x128xf32>
    %jit3A_243 = arith.constant 2.100000e+01 : f32
    %broadcast_in_dim3A_244 = vector.broadcast %jit3A_243 : f32 to vector<512x128xf32>
    %select_n3A_245 = arith.select %lt3A_241, %broadcast_in_dim3A_244, %select_n3A_234 : vector<512x128xi1>, vector<512x128xf32>
    %slice3A_246 = vector.extract_strided_slice %get3A_11 {offsets = [0, 2816], sizes = [1, 128], strides = [1, 1]} : vector<1x8192xf32> to vector<1x128xf32>
    %add3A_247 = vector.broadcast %broadcast_in_dim3A : vector<512x1xf32> to vector<512x128xf32>
    %add3A_248 = vector.broadcast %slice3A_246 : vector<1x128xf32> to vector<512x128xf32>
    %add3A_249 = arith.addf %add3A_247, %add3A_248 : vector<512x128xf32>
    %slice3A_250 = vector.extract_strided_slice %dot_general3A_7 {offsets = [0, 2816], sizes = [512, 128], strides = [1, 1]} : vector<512x8192xf32> to vector<512x128xf32>
    %add3A_251 = arith.addf %add3A_249, %slice3A_250 : vector<512x128xf32>
    %lt3A_252 = arith.cmpf olt, %add3A_251, %select_n3A_242 : vector<512x128xf32>
    %select_n3A_253 = arith.select %lt3A_252, %add3A_251, %select_n3A_242 : vector<512x128xi1>, vector<512x128xf32>
    %jit3A_254 = arith.constant 2.200000e+01 : f32
    %broadcast_in_dim3A_255 = vector.broadcast %jit3A_254 : f32 to vector<512x128xf32>
    %select_n3A_256 = arith.select %lt3A_252, %broadcast_in_dim3A_255, %select_n3A_245 : vector<512x128xi1>, vector<512x128xf32>
    %slice3A_257 = vector.extract_strided_slice %get3A_11 {offsets = [0, 2944], sizes = [1, 128], strides = [1, 1]} : vector<1x8192xf32> to vector<1x128xf32>
    %add3A_258 = vector.broadcast %broadcast_in_dim3A : vector<512x1xf32> to vector<512x128xf32>
    %add3A_259 = vector.broadcast %slice3A_257 : vector<1x128xf32> to vector<512x128xf32>
    %add3A_260 = arith.addf %add3A_258, %add3A_259 : vector<512x128xf32>
    %slice3A_261 = vector.extract_strided_slice %dot_general3A_7 {offsets = [0, 2944], sizes = [512, 128], strides = [1, 1]} : vector<512x8192xf32> to vector<512x128xf32>
    %add3A_262 = arith.addf %add3A_260, %slice3A_261 : vector<512x128xf32>
    %lt3A_263 = arith.cmpf olt, %add3A_262, %select_n3A_253 : vector<512x128xf32>
    %select_n3A_264 = arith.select %lt3A_263, %add3A_262, %select_n3A_253 : vector<512x128xi1>, vector<512x128xf32>
    %jit3A_265 = arith.constant 2.300000e+01 : f32
    %broadcast_in_dim3A_266 = vector.broadcast %jit3A_265 : f32 to vector<512x128xf32>
    %select_n3A_267 = arith.select %lt3A_263, %broadcast_in_dim3A_266, %select_n3A_256 : vector<512x128xi1>, vector<512x128xf32>
    %slice3A_268 = vector.extract_strided_slice %get3A_11 {offsets = [0, 3072], sizes = [1, 128], strides = [1, 1]} : vector<1x8192xf32> to vector<1x128xf32>
    %add3A_269 = vector.broadcast %broadcast_in_dim3A : vector<512x1xf32> to vector<512x128xf32>
    %add3A_270 = vector.broadcast %slice3A_268 : vector<1x128xf32> to vector<512x128xf32>
    %add3A_271 = arith.addf %add3A_269, %add3A_270 : vector<512x128xf32>
    %slice3A_272 = vector.extract_strided_slice %dot_general3A_7 {offsets = [0, 3072], sizes = [512, 128], strides = [1, 1]} : vector<512x8192xf32> to vector<512x128xf32>
    %add3A_273 = arith.addf %add3A_271, %slice3A_272 : vector<512x128xf32>
    %lt3A_274 = arith.cmpf olt, %add3A_273, %select_n3A_264 : vector<512x128xf32>
    %select_n3A_275 = arith.select %lt3A_274, %add3A_273, %select_n3A_264 : vector<512x128xi1>, vector<512x128xf32>
    %jit3A_276 = arith.constant 2.400000e+01 : f32
    %broadcast_in_dim3A_277 = vector.broadcast %jit3A_276 : f32 to vector<512x128xf32>
    %select_n3A_278 = arith.select %lt3A_274, %broadcast_in_dim3A_277, %select_n3A_267 : vector<512x128xi1>, vector<512x128xf32>
    %slice3A_279 = vector.extract_strided_slice %get3A_11 {offsets = [0, 3200], sizes = [1, 128], strides = [1, 1]} : vector<1x8192xf32> to vector<1x128xf32>
    %add3A_280 = vector.broadcast %broadcast_in_dim3A : vector<512x1xf32> to vector<512x128xf32>
    %add3A_281 = vector.broadcast %slice3A_279 : vector<1x128xf32> to vector<512x128xf32>
    %add3A_282 = arith.addf %add3A_280, %add3A_281 : vector<512x128xf32>
    %slice3A_283 = vector.extract_strided_slice %dot_general3A_7 {offsets = [0, 3200], sizes = [512, 128], strides = [1, 1]} : vector<512x8192xf32> to vector<512x128xf32>
    %add3A_284 = arith.addf %add3A_282, %slice3A_283 : vector<512x128xf32>
    %lt3A_285 = arith.cmpf olt, %add3A_284, %select_n3A_275 : vector<512x128xf32>
    %select_n3A_286 = arith.select %lt3A_285, %add3A_284, %select_n3A_275 : vector<512x128xi1>, vector<512x128xf32>
    %jit3A_287 = arith.constant 2.500000e+01 : f32
    %broadcast_in_dim3A_288 = vector.broadcast %jit3A_287 : f32 to vector<512x128xf32>
    %select_n3A_289 = arith.select %lt3A_285, %broadcast_in_dim3A_288, %select_n3A_278 : vector<512x128xi1>, vector<512x128xf32>
    %slice3A_290 = vector.extract_strided_slice %get3A_11 {offsets = [0, 3328], sizes = [1, 128], strides = [1, 1]} : vector<1x8192xf32> to vector<1x128xf32>
    %add3A_291 = vector.broadcast %broadcast_in_dim3A : vector<512x1xf32> to vector<512x128xf32>
    %add3A_292 = vector.broadcast %slice3A_290 : vector<1x128xf32> to vector<512x128xf32>
    %add3A_293 = arith.addf %add3A_291, %add3A_292 : vector<512x128xf32>
    %slice3A_294 = vector.extract_strided_slice %dot_general3A_7 {offsets = [0, 3328], sizes = [512, 128], strides = [1, 1]} : vector<512x8192xf32> to vector<512x128xf32>
    %add3A_295 = arith.addf %add3A_293, %slice3A_294 : vector<512x128xf32>
    %lt3A_296 = arith.cmpf olt, %add3A_295, %select_n3A_286 : vector<512x128xf32>
    %select_n3A_297 = arith.select %lt3A_296, %add3A_295, %select_n3A_286 : vector<512x128xi1>, vector<512x128xf32>
    %jit3A_298 = arith.constant 2.600000e+01 : f32
    %broadcast_in_dim3A_299 = vector.broadcast %jit3A_298 : f32 to vector<512x128xf32>
    %select_n3A_300 = arith.select %lt3A_296, %broadcast_in_dim3A_299, %select_n3A_289 : vector<512x128xi1>, vector<512x128xf32>
    %slice3A_301 = vector.extract_strided_slice %get3A_11 {offsets = [0, 3456], sizes = [1, 128], strides = [1, 1]} : vector<1x8192xf32> to vector<1x128xf32>
    %add3A_302 = vector.broadcast %broadcast_in_dim3A : vector<512x1xf32> to vector<512x128xf32>
    %add3A_303 = vector.broadcast %slice3A_301 : vector<1x128xf32> to vector<512x128xf32>
    %add3A_304 = arith.addf %add3A_302, %add3A_303 : vector<512x128xf32>
    %slice3A_305 = vector.extract_strided_slice %dot_general3A_7 {offsets = [0, 3456], sizes = [512, 128], strides = [1, 1]} : vector<512x8192xf32> to vector<512x128xf32>
    %add3A_306 = arith.addf %add3A_304, %slice3A_305 : vector<512x128xf32>
    %lt3A_307 = arith.cmpf olt, %add3A_306, %select_n3A_297 : vector<512x128xf32>
    %select_n3A_308 = arith.select %lt3A_307, %add3A_306, %select_n3A_297 : vector<512x128xi1>, vector<512x128xf32>
    %jit3A_309 = arith.constant 2.700000e+01 : f32
    %broadcast_in_dim3A_310 = vector.broadcast %jit3A_309 : f32 to vector<512x128xf32>
    %select_n3A_311 = arith.select %lt3A_307, %broadcast_in_dim3A_310, %select_n3A_300 : vector<512x128xi1>, vector<512x128xf32>
    %slice3A_312 = vector.extract_strided_slice %get3A_11 {offsets = [0, 3584], sizes = [1, 128], strides = [1, 1]} : vector<1x8192xf32> to vector<1x128xf32>
    %add3A_313 = vector.broadcast %broadcast_in_dim3A : vector<512x1xf32> to vector<512x128xf32>
    %add3A_314 = vector.broadcast %slice3A_312 : vector<1x128xf32> to vector<512x128xf32>
    %add3A_315 = arith.addf %add3A_313, %add3A_314 : vector<512x128xf32>
    %slice3A_316 = vector.extract_strided_slice %dot_general3A_7 {offsets = [0, 3584], sizes = [512, 128], strides = [1, 1]} : vector<512x8192xf32> to vector<512x128xf32>
    %add3A_317 = arith.addf %add3A_315, %slice3A_316 : vector<512x128xf32>
    %lt3A_318 = arith.cmpf olt, %add3A_317, %select_n3A_308 : vector<512x128xf32>
    %select_n3A_319 = arith.select %lt3A_318, %add3A_317, %select_n3A_308 : vector<512x128xi1>, vector<512x128xf32>
    %jit3A_320 = arith.constant 2.800000e+01 : f32
    %broadcast_in_dim3A_321 = vector.broadcast %jit3A_320 : f32 to vector<512x128xf32>
    %select_n3A_322 = arith.select %lt3A_318, %broadcast_in_dim3A_321, %select_n3A_311 : vector<512x128xi1>, vector<512x128xf32>
    %slice3A_323 = vector.extract_strided_slice %get3A_11 {offsets = [0, 3712], sizes = [1, 128], strides = [1, 1]} : vector<1x8192xf32> to vector<1x128xf32>
    %add3A_324 = vector.broadcast %broadcast_in_dim3A : vector<512x1xf32> to vector<512x128xf32>
    %add3A_325 = vector.broadcast %slice3A_323 : vector<1x128xf32> to vector<512x128xf32>
    %add3A_326 = arith.addf %add3A_324, %add3A_325 : vector<512x128xf32>
    %slice3A_327 = vector.extract_strided_slice %dot_general3A_7 {offsets = [0, 3712], sizes = [512, 128], strides = [1, 1]} : vector<512x8192xf32> to vector<512x128xf32>
    %add3A_328 = arith.addf %add3A_326, %slice3A_327 : vector<512x128xf32>
    %lt3A_329 = arith.cmpf olt, %add3A_328, %select_n3A_319 : vector<512x128xf32>
    %select_n3A_330 = arith.select %lt3A_329, %add3A_328, %select_n3A_319 : vector<512x128xi1>, vector<512x128xf32>
    %jit3A_331 = arith.constant 2.900000e+01 : f32
    %broadcast_in_dim3A_332 = vector.broadcast %jit3A_331 : f32 to vector<512x128xf32>
    %select_n3A_333 = arith.select %lt3A_329, %broadcast_in_dim3A_332, %select_n3A_322 : vector<512x128xi1>, vector<512x128xf32>
    %slice3A_334 = vector.extract_strided_slice %get3A_11 {offsets = [0, 3840], sizes = [1, 128], strides = [1, 1]} : vector<1x8192xf32> to vector<1x128xf32>
    %add3A_335 = vector.broadcast %broadcast_in_dim3A : vector<512x1xf32> to vector<512x128xf32>
    %add3A_336 = vector.broadcast %slice3A_334 : vector<1x128xf32> to vector<512x128xf32>
    %add3A_337 = arith.addf %add3A_335, %add3A_336 : vector<512x128xf32>
    %slice3A_338 = vector.extract_strided_slice %dot_general3A_7 {offsets = [0, 3840], sizes = [512, 128], strides = [1, 1]} : vector<512x8192xf32> to vector<512x128xf32>
    %add3A_339 = arith.addf %add3A_337, %slice3A_338 : vector<512x128xf32>
    %lt3A_340 = arith.cmpf olt, %add3A_339, %select_n3A_330 : vector<512x128xf32>
    %select_n3A_341 = arith.select %lt3A_340, %add3A_339, %select_n3A_330 : vector<512x128xi1>, vector<512x128xf32>
    %jit3A_342 = arith.constant 3.000000e+01 : f32
    %broadcast_in_dim3A_343 = vector.broadcast %jit3A_342 : f32 to vector<512x128xf32>
    %select_n3A_344 = arith.select %lt3A_340, %broadcast_in_dim3A_343, %select_n3A_333 : vector<512x128xi1>, vector<512x128xf32>
    %slice3A_345 = vector.extract_strided_slice %get3A_11 {offsets = [0, 3968], sizes = [1, 128], strides = [1, 1]} : vector<1x8192xf32> to vector<1x128xf32>
    %add3A_346 = vector.broadcast %broadcast_in_dim3A : vector<512x1xf32> to vector<512x128xf32>
    %add3A_347 = vector.broadcast %slice3A_345 : vector<1x128xf32> to vector<512x128xf32>
    %add3A_348 = arith.addf %add3A_346, %add3A_347 : vector<512x128xf32>
    %slice3A_349 = vector.extract_strided_slice %dot_general3A_7 {offsets = [0, 3968], sizes = [512, 128], strides = [1, 1]} : vector<512x8192xf32> to vector<512x128xf32>
    %add3A_350 = arith.addf %add3A_348, %slice3A_349 : vector<512x128xf32>
    %lt3A_351 = arith.cmpf olt, %add3A_350, %select_n3A_341 : vector<512x128xf32>
    %select_n3A_352 = arith.select %lt3A_351, %add3A_350, %select_n3A_341 : vector<512x128xi1>, vector<512x128xf32>
    %jit3A_353 = arith.constant 3.100000e+01 : f32
    %broadcast_in_dim3A_354 = vector.broadcast %jit3A_353 : f32 to vector<512x128xf32>
    %select_n3A_355 = arith.select %lt3A_351, %broadcast_in_dim3A_354, %select_n3A_344 : vector<512x128xi1>, vector<512x128xf32>
    %slice3A_356 = vector.extract_strided_slice %get3A_11 {offsets = [0, 4096], sizes = [1, 128], strides = [1, 1]} : vector<1x8192xf32> to vector<1x128xf32>
    %add3A_357 = vector.broadcast %broadcast_in_dim3A : vector<512x1xf32> to vector<512x128xf32>
    %add3A_358 = vector.broadcast %slice3A_356 : vector<1x128xf32> to vector<512x128xf32>
    %add3A_359 = arith.addf %add3A_357, %add3A_358 : vector<512x128xf32>
    %slice3A_360 = vector.extract_strided_slice %dot_general3A_7 {offsets = [0, 4096], sizes = [512, 128], strides = [1, 1]} : vector<512x8192xf32> to vector<512x128xf32>
    %add3A_361 = arith.addf %add3A_359, %slice3A_360 : vector<512x128xf32>
    %lt3A_362 = arith.cmpf olt, %add3A_361, %select_n3A_352 : vector<512x128xf32>
    %select_n3A_363 = arith.select %lt3A_362, %add3A_361, %select_n3A_352 : vector<512x128xi1>, vector<512x128xf32>
    %jit3A_364 = arith.constant 3.200000e+01 : f32
    %broadcast_in_dim3A_365 = vector.broadcast %jit3A_364 : f32 to vector<512x128xf32>
    %select_n3A_366 = arith.select %lt3A_362, %broadcast_in_dim3A_365, %select_n3A_355 : vector<512x128xi1>, vector<512x128xf32>
    %slice3A_367 = vector.extract_strided_slice %get3A_11 {offsets = [0, 4224], sizes = [1, 128], strides = [1, 1]} : vector<1x8192xf32> to vector<1x128xf32>
    %add3A_368 = vector.broadcast %broadcast_in_dim3A : vector<512x1xf32> to vector<512x128xf32>
    %add3A_369 = vector.broadcast %slice3A_367 : vector<1x128xf32> to vector<512x128xf32>
    %add3A_370 = arith.addf %add3A_368, %add3A_369 : vector<512x128xf32>
    %slice3A_371 = vector.extract_strided_slice %dot_general3A_7 {offsets = [0, 4224], sizes = [512, 128], strides = [1, 1]} : vector<512x8192xf32> to vector<512x128xf32>
    %add3A_372 = arith.addf %add3A_370, %slice3A_371 : vector<512x128xf32>
    %lt3A_373 = arith.cmpf olt, %add3A_372, %select_n3A_363 : vector<512x128xf32>
    %select_n3A_374 = arith.select %lt3A_373, %add3A_372, %select_n3A_363 : vector<512x128xi1>, vector<512x128xf32>
    %jit3A_375 = arith.constant 3.300000e+01 : f32
    %broadcast_in_dim3A_376 = vector.broadcast %jit3A_375 : f32 to vector<512x128xf32>
    %select_n3A_377 = arith.select %lt3A_373, %broadcast_in_dim3A_376, %select_n3A_366 : vector<512x128xi1>, vector<512x128xf32>
    %slice3A_378 = vector.extract_strided_slice %get3A_11 {offsets = [0, 4352], sizes = [1, 128], strides = [1, 1]} : vector<1x8192xf32> to vector<1x128xf32>
    %add3A_379 = vector.broadcast %broadcast_in_dim3A : vector<512x1xf32> to vector<512x128xf32>
    %add3A_380 = vector.broadcast %slice3A_378 : vector<1x128xf32> to vector<512x128xf32>
    %add3A_381 = arith.addf %add3A_379, %add3A_380 : vector<512x128xf32>
    %slice3A_382 = vector.extract_strided_slice %dot_general3A_7 {offsets = [0, 4352], sizes = [512, 128], strides = [1, 1]} : vector<512x8192xf32> to vector<512x128xf32>
    %add3A_383 = arith.addf %add3A_381, %slice3A_382 : vector<512x128xf32>
    %lt3A_384 = arith.cmpf olt, %add3A_383, %select_n3A_374 : vector<512x128xf32>
    %select_n3A_385 = arith.select %lt3A_384, %add3A_383, %select_n3A_374 : vector<512x128xi1>, vector<512x128xf32>
    %jit3A_386 = arith.constant 3.400000e+01 : f32
    %broadcast_in_dim3A_387 = vector.broadcast %jit3A_386 : f32 to vector<512x128xf32>
    %select_n3A_388 = arith.select %lt3A_384, %broadcast_in_dim3A_387, %select_n3A_377 : vector<512x128xi1>, vector<512x128xf32>
    %slice3A_389 = vector.extract_strided_slice %get3A_11 {offsets = [0, 4480], sizes = [1, 128], strides = [1, 1]} : vector<1x8192xf32> to vector<1x128xf32>
    %add3A_390 = vector.broadcast %broadcast_in_dim3A : vector<512x1xf32> to vector<512x128xf32>
    %add3A_391 = vector.broadcast %slice3A_389 : vector<1x128xf32> to vector<512x128xf32>
    %add3A_392 = arith.addf %add3A_390, %add3A_391 : vector<512x128xf32>
    %slice3A_393 = vector.extract_strided_slice %dot_general3A_7 {offsets = [0, 4480], sizes = [512, 128], strides = [1, 1]} : vector<512x8192xf32> to vector<512x128xf32>
    %add3A_394 = arith.addf %add3A_392, %slice3A_393 : vector<512x128xf32>
    %lt3A_395 = arith.cmpf olt, %add3A_394, %select_n3A_385 : vector<512x128xf32>
    %select_n3A_396 = arith.select %lt3A_395, %add3A_394, %select_n3A_385 : vector<512x128xi1>, vector<512x128xf32>
    %jit3A_397 = arith.constant 3.500000e+01 : f32
    %broadcast_in_dim3A_398 = vector.broadcast %jit3A_397 : f32 to vector<512x128xf32>
    %select_n3A_399 = arith.select %lt3A_395, %broadcast_in_dim3A_398, %select_n3A_388 : vector<512x128xi1>, vector<512x128xf32>
    %slice3A_400 = vector.extract_strided_slice %get3A_11 {offsets = [0, 4608], sizes = [1, 128], strides = [1, 1]} : vector<1x8192xf32> to vector<1x128xf32>
    %add3A_401 = vector.broadcast %broadcast_in_dim3A : vector<512x1xf32> to vector<512x128xf32>
    %add3A_402 = vector.broadcast %slice3A_400 : vector<1x128xf32> to vector<512x128xf32>
    %add3A_403 = arith.addf %add3A_401, %add3A_402 : vector<512x128xf32>
    %slice3A_404 = vector.extract_strided_slice %dot_general3A_7 {offsets = [0, 4608], sizes = [512, 128], strides = [1, 1]} : vector<512x8192xf32> to vector<512x128xf32>
    %add3A_405 = arith.addf %add3A_403, %slice3A_404 : vector<512x128xf32>
    %lt3A_406 = arith.cmpf olt, %add3A_405, %select_n3A_396 : vector<512x128xf32>
    %select_n3A_407 = arith.select %lt3A_406, %add3A_405, %select_n3A_396 : vector<512x128xi1>, vector<512x128xf32>
    %jit3A_408 = arith.constant 3.600000e+01 : f32
    %broadcast_in_dim3A_409 = vector.broadcast %jit3A_408 : f32 to vector<512x128xf32>
    %select_n3A_410 = arith.select %lt3A_406, %broadcast_in_dim3A_409, %select_n3A_399 : vector<512x128xi1>, vector<512x128xf32>
    %slice3A_411 = vector.extract_strided_slice %get3A_11 {offsets = [0, 4736], sizes = [1, 128], strides = [1, 1]} : vector<1x8192xf32> to vector<1x128xf32>
    %add3A_412 = vector.broadcast %broadcast_in_dim3A : vector<512x1xf32> to vector<512x128xf32>
    %add3A_413 = vector.broadcast %slice3A_411 : vector<1x128xf32> to vector<512x128xf32>
    %add3A_414 = arith.addf %add3A_412, %add3A_413 : vector<512x128xf32>
    %slice3A_415 = vector.extract_strided_slice %dot_general3A_7 {offsets = [0, 4736], sizes = [512, 128], strides = [1, 1]} : vector<512x8192xf32> to vector<512x128xf32>
    %add3A_416 = arith.addf %add3A_414, %slice3A_415 : vector<512x128xf32>
    %lt3A_417 = arith.cmpf olt, %add3A_416, %select_n3A_407 : vector<512x128xf32>
    %select_n3A_418 = arith.select %lt3A_417, %add3A_416, %select_n3A_407 : vector<512x128xi1>, vector<512x128xf32>
    %jit3A_419 = arith.constant 3.700000e+01 : f32
    %broadcast_in_dim3A_420 = vector.broadcast %jit3A_419 : f32 to vector<512x128xf32>
    %select_n3A_421 = arith.select %lt3A_417, %broadcast_in_dim3A_420, %select_n3A_410 : vector<512x128xi1>, vector<512x128xf32>
    %slice3A_422 = vector.extract_strided_slice %get3A_11 {offsets = [0, 4864], sizes = [1, 128], strides = [1, 1]} : vector<1x8192xf32> to vector<1x128xf32>
    %add3A_423 = vector.broadcast %broadcast_in_dim3A : vector<512x1xf32> to vector<512x128xf32>
    %add3A_424 = vector.broadcast %slice3A_422 : vector<1x128xf32> to vector<512x128xf32>
    %add3A_425 = arith.addf %add3A_423, %add3A_424 : vector<512x128xf32>
    %slice3A_426 = vector.extract_strided_slice %dot_general3A_7 {offsets = [0, 4864], sizes = [512, 128], strides = [1, 1]} : vector<512x8192xf32> to vector<512x128xf32>
    %add3A_427 = arith.addf %add3A_425, %slice3A_426 : vector<512x128xf32>
    %lt3A_428 = arith.cmpf olt, %add3A_427, %select_n3A_418 : vector<512x128xf32>
    %select_n3A_429 = arith.select %lt3A_428, %add3A_427, %select_n3A_418 : vector<512x128xi1>, vector<512x128xf32>
    %jit3A_430 = arith.constant 3.800000e+01 : f32
    %broadcast_in_dim3A_431 = vector.broadcast %jit3A_430 : f32 to vector<512x128xf32>
    %select_n3A_432 = arith.select %lt3A_428, %broadcast_in_dim3A_431, %select_n3A_421 : vector<512x128xi1>, vector<512x128xf32>
    %slice3A_433 = vector.extract_strided_slice %get3A_11 {offsets = [0, 4992], sizes = [1, 128], strides = [1, 1]} : vector<1x8192xf32> to vector<1x128xf32>
    %add3A_434 = vector.broadcast %broadcast_in_dim3A : vector<512x1xf32> to vector<512x128xf32>
    %add3A_435 = vector.broadcast %slice3A_433 : vector<1x128xf32> to vector<512x128xf32>
    %add3A_436 = arith.addf %add3A_434, %add3A_435 : vector<512x128xf32>
    %slice3A_437 = vector.extract_strided_slice %dot_general3A_7 {offsets = [0, 4992], sizes = [512, 128], strides = [1, 1]} : vector<512x8192xf32> to vector<512x128xf32>
    %add3A_438 = arith.addf %add3A_436, %slice3A_437 : vector<512x128xf32>
    %lt3A_439 = arith.cmpf olt, %add3A_438, %select_n3A_429 : vector<512x128xf32>
    %select_n3A_440 = arith.select %lt3A_439, %add3A_438, %select_n3A_429 : vector<512x128xi1>, vector<512x128xf32>
    %jit3A_441 = arith.constant 3.900000e+01 : f32
    %broadcast_in_dim3A_442 = vector.broadcast %jit3A_441 : f32 to vector<512x128xf32>
    %select_n3A_443 = arith.select %lt3A_439, %broadcast_in_dim3A_442, %select_n3A_432 : vector<512x128xi1>, vector<512x128xf32>
    %slice3A_444 = vector.extract_strided_slice %get3A_11 {offsets = [0, 5120], sizes = [1, 128], strides = [1, 1]} : vector<1x8192xf32> to vector<1x128xf32>
    %add3A_445 = vector.broadcast %broadcast_in_dim3A : vector<512x1xf32> to vector<512x128xf32>
    %add3A_446 = vector.broadcast %slice3A_444 : vector<1x128xf32> to vector<512x128xf32>
    %add3A_447 = arith.addf %add3A_445, %add3A_446 : vector<512x128xf32>
    %slice3A_448 = vector.extract_strided_slice %dot_general3A_7 {offsets = [0, 5120], sizes = [512, 128], strides = [1, 1]} : vector<512x8192xf32> to vector<512x128xf32>
    %add3A_449 = arith.addf %add3A_447, %slice3A_448 : vector<512x128xf32>
    %lt3A_450 = arith.cmpf olt, %add3A_449, %select_n3A_440 : vector<512x128xf32>
    %select_n3A_451 = arith.select %lt3A_450, %add3A_449, %select_n3A_440 : vector<512x128xi1>, vector<512x128xf32>
    %jit3A_452 = arith.constant 4.000000e+01 : f32
    %broadcast_in_dim3A_453 = vector.broadcast %jit3A_452 : f32 to vector<512x128xf32>
    %select_n3A_454 = arith.select %lt3A_450, %broadcast_in_dim3A_453, %select_n3A_443 : vector<512x128xi1>, vector<512x128xf32>
    %slice3A_455 = vector.extract_strided_slice %get3A_11 {offsets = [0, 5248], sizes = [1, 128], strides = [1, 1]} : vector<1x8192xf32> to vector<1x128xf32>
    %add3A_456 = vector.broadcast %broadcast_in_dim3A : vector<512x1xf32> to vector<512x128xf32>
    %add3A_457 = vector.broadcast %slice3A_455 : vector<1x128xf32> to vector<512x128xf32>
    %add3A_458 = arith.addf %add3A_456, %add3A_457 : vector<512x128xf32>
    %slice3A_459 = vector.extract_strided_slice %dot_general3A_7 {offsets = [0, 5248], sizes = [512, 128], strides = [1, 1]} : vector<512x8192xf32> to vector<512x128xf32>
    %add3A_460 = arith.addf %add3A_458, %slice3A_459 : vector<512x128xf32>
    %lt3A_461 = arith.cmpf olt, %add3A_460, %select_n3A_451 : vector<512x128xf32>
    %select_n3A_462 = arith.select %lt3A_461, %add3A_460, %select_n3A_451 : vector<512x128xi1>, vector<512x128xf32>
    %jit3A_463 = arith.constant 4.100000e+01 : f32
    %broadcast_in_dim3A_464 = vector.broadcast %jit3A_463 : f32 to vector<512x128xf32>
    %select_n3A_465 = arith.select %lt3A_461, %broadcast_in_dim3A_464, %select_n3A_454 : vector<512x128xi1>, vector<512x128xf32>
    %slice3A_466 = vector.extract_strided_slice %get3A_11 {offsets = [0, 5376], sizes = [1, 128], strides = [1, 1]} : vector<1x8192xf32> to vector<1x128xf32>
    %add3A_467 = vector.broadcast %broadcast_in_dim3A : vector<512x1xf32> to vector<512x128xf32>
    %add3A_468 = vector.broadcast %slice3A_466 : vector<1x128xf32> to vector<512x128xf32>
    %add3A_469 = arith.addf %add3A_467, %add3A_468 : vector<512x128xf32>
    %slice3A_470 = vector.extract_strided_slice %dot_general3A_7 {offsets = [0, 5376], sizes = [512, 128], strides = [1, 1]} : vector<512x8192xf32> to vector<512x128xf32>
    %add3A_471 = arith.addf %add3A_469, %slice3A_470 : vector<512x128xf32>
    %lt3A_472 = arith.cmpf olt, %add3A_471, %select_n3A_462 : vector<512x128xf32>
    %select_n3A_473 = arith.select %lt3A_472, %add3A_471, %select_n3A_462 : vector<512x128xi1>, vector<512x128xf32>
    %jit3A_474 = arith.constant 4.200000e+01 : f32
    %broadcast_in_dim3A_475 = vector.broadcast %jit3A_474 : f32 to vector<512x128xf32>
    %select_n3A_476 = arith.select %lt3A_472, %broadcast_in_dim3A_475, %select_n3A_465 : vector<512x128xi1>, vector<512x128xf32>
    %slice3A_477 = vector.extract_strided_slice %get3A_11 {offsets = [0, 5504], sizes = [1, 128], strides = [1, 1]} : vector<1x8192xf32> to vector<1x128xf32>
    %add3A_478 = vector.broadcast %broadcast_in_dim3A : vector<512x1xf32> to vector<512x128xf32>
    %add3A_479 = vector.broadcast %slice3A_477 : vector<1x128xf32> to vector<512x128xf32>
    %add3A_480 = arith.addf %add3A_478, %add3A_479 : vector<512x128xf32>
    %slice3A_481 = vector.extract_strided_slice %dot_general3A_7 {offsets = [0, 5504], sizes = [512, 128], strides = [1, 1]} : vector<512x8192xf32> to vector<512x128xf32>
    %add3A_482 = arith.addf %add3A_480, %slice3A_481 : vector<512x128xf32>
    %lt3A_483 = arith.cmpf olt, %add3A_482, %select_n3A_473 : vector<512x128xf32>
    %select_n3A_484 = arith.select %lt3A_483, %add3A_482, %select_n3A_473 : vector<512x128xi1>, vector<512x128xf32>
    %jit3A_485 = arith.constant 4.300000e+01 : f32
    %broadcast_in_dim3A_486 = vector.broadcast %jit3A_485 : f32 to vector<512x128xf32>
    %select_n3A_487 = arith.select %lt3A_483, %broadcast_in_dim3A_486, %select_n3A_476 : vector<512x128xi1>, vector<512x128xf32>
    %slice3A_488 = vector.extract_strided_slice %get3A_11 {offsets = [0, 5632], sizes = [1, 128], strides = [1, 1]} : vector<1x8192xf32> to vector<1x128xf32>
    %add3A_489 = vector.broadcast %broadcast_in_dim3A : vector<512x1xf32> to vector<512x128xf32>
    %add3A_490 = vector.broadcast %slice3A_488 : vector<1x128xf32> to vector<512x128xf32>
    %add3A_491 = arith.addf %add3A_489, %add3A_490 : vector<512x128xf32>
    %slice3A_492 = vector.extract_strided_slice %dot_general3A_7 {offsets = [0, 5632], sizes = [512, 128], strides = [1, 1]} : vector<512x8192xf32> to vector<512x128xf32>
    %add3A_493 = arith.addf %add3A_491, %slice3A_492 : vector<512x128xf32>
    %lt3A_494 = arith.cmpf olt, %add3A_493, %select_n3A_484 : vector<512x128xf32>
    %select_n3A_495 = arith.select %lt3A_494, %add3A_493, %select_n3A_484 : vector<512x128xi1>, vector<512x128xf32>
    %jit3A_496 = arith.constant 4.400000e+01 : f32
    %broadcast_in_dim3A_497 = vector.broadcast %jit3A_496 : f32 to vector<512x128xf32>
    %select_n3A_498 = arith.select %lt3A_494, %broadcast_in_dim3A_497, %select_n3A_487 : vector<512x128xi1>, vector<512x128xf32>
    %slice3A_499 = vector.extract_strided_slice %get3A_11 {offsets = [0, 5760], sizes = [1, 128], strides = [1, 1]} : vector<1x8192xf32> to vector<1x128xf32>
    %add3A_500 = vector.broadcast %broadcast_in_dim3A : vector<512x1xf32> to vector<512x128xf32>
    %add3A_501 = vector.broadcast %slice3A_499 : vector<1x128xf32> to vector<512x128xf32>
    %add3A_502 = arith.addf %add3A_500, %add3A_501 : vector<512x128xf32>
    %slice3A_503 = vector.extract_strided_slice %dot_general3A_7 {offsets = [0, 5760], sizes = [512, 128], strides = [1, 1]} : vector<512x8192xf32> to vector<512x128xf32>
    %add3A_504 = arith.addf %add3A_502, %slice3A_503 : vector<512x128xf32>
    %lt3A_505 = arith.cmpf olt, %add3A_504, %select_n3A_495 : vector<512x128xf32>
    %select_n3A_506 = arith.select %lt3A_505, %add3A_504, %select_n3A_495 : vector<512x128xi1>, vector<512x128xf32>
    %jit3A_507 = arith.constant 4.500000e+01 : f32
    %broadcast_in_dim3A_508 = vector.broadcast %jit3A_507 : f32 to vector<512x128xf32>
    %select_n3A_509 = arith.select %lt3A_505, %broadcast_in_dim3A_508, %select_n3A_498 : vector<512x128xi1>, vector<512x128xf32>
    %slice3A_510 = vector.extract_strided_slice %get3A_11 {offsets = [0, 5888], sizes = [1, 128], strides = [1, 1]} : vector<1x8192xf32> to vector<1x128xf32>
    %add3A_511 = vector.broadcast %broadcast_in_dim3A : vector<512x1xf32> to vector<512x128xf32>
    %add3A_512 = vector.broadcast %slice3A_510 : vector<1x128xf32> to vector<512x128xf32>
    %add3A_513 = arith.addf %add3A_511, %add3A_512 : vector<512x128xf32>
    %slice3A_514 = vector.extract_strided_slice %dot_general3A_7 {offsets = [0, 5888], sizes = [512, 128], strides = [1, 1]} : vector<512x8192xf32> to vector<512x128xf32>
    %add3A_515 = arith.addf %add3A_513, %slice3A_514 : vector<512x128xf32>
    %lt3A_516 = arith.cmpf olt, %add3A_515, %select_n3A_506 : vector<512x128xf32>
    %select_n3A_517 = arith.select %lt3A_516, %add3A_515, %select_n3A_506 : vector<512x128xi1>, vector<512x128xf32>
    %jit3A_518 = arith.constant 4.600000e+01 : f32
    %broadcast_in_dim3A_519 = vector.broadcast %jit3A_518 : f32 to vector<512x128xf32>
    %select_n3A_520 = arith.select %lt3A_516, %broadcast_in_dim3A_519, %select_n3A_509 : vector<512x128xi1>, vector<512x128xf32>
    %slice3A_521 = vector.extract_strided_slice %get3A_11 {offsets = [0, 6016], sizes = [1, 128], strides = [1, 1]} : vector<1x8192xf32> to vector<1x128xf32>
    %add3A_522 = vector.broadcast %broadcast_in_dim3A : vector<512x1xf32> to vector<512x128xf32>
    %add3A_523 = vector.broadcast %slice3A_521 : vector<1x128xf32> to vector<512x128xf32>
    %add3A_524 = arith.addf %add3A_522, %add3A_523 : vector<512x128xf32>
    %slice3A_525 = vector.extract_strided_slice %dot_general3A_7 {offsets = [0, 6016], sizes = [512, 128], strides = [1, 1]} : vector<512x8192xf32> to vector<512x128xf32>
    %add3A_526 = arith.addf %add3A_524, %slice3A_525 : vector<512x128xf32>
    %lt3A_527 = arith.cmpf olt, %add3A_526, %select_n3A_517 : vector<512x128xf32>
    %select_n3A_528 = arith.select %lt3A_527, %add3A_526, %select_n3A_517 : vector<512x128xi1>, vector<512x128xf32>
    %jit3A_529 = arith.constant 4.700000e+01 : f32
    %broadcast_in_dim3A_530 = vector.broadcast %jit3A_529 : f32 to vector<512x128xf32>
    %select_n3A_531 = arith.select %lt3A_527, %broadcast_in_dim3A_530, %select_n3A_520 : vector<512x128xi1>, vector<512x128xf32>
    %slice3A_532 = vector.extract_strided_slice %get3A_11 {offsets = [0, 6144], sizes = [1, 128], strides = [1, 1]} : vector<1x8192xf32> to vector<1x128xf32>
    %add3A_533 = vector.broadcast %broadcast_in_dim3A : vector<512x1xf32> to vector<512x128xf32>
    %add3A_534 = vector.broadcast %slice3A_532 : vector<1x128xf32> to vector<512x128xf32>
    %add3A_535 = arith.addf %add3A_533, %add3A_534 : vector<512x128xf32>
    %slice3A_536 = vector.extract_strided_slice %dot_general3A_7 {offsets = [0, 6144], sizes = [512, 128], strides = [1, 1]} : vector<512x8192xf32> to vector<512x128xf32>
    %add3A_537 = arith.addf %add3A_535, %slice3A_536 : vector<512x128xf32>
    %lt3A_538 = arith.cmpf olt, %add3A_537, %select_n3A_528 : vector<512x128xf32>
    %select_n3A_539 = arith.select %lt3A_538, %add3A_537, %select_n3A_528 : vector<512x128xi1>, vector<512x128xf32>
    %jit3A_540 = arith.constant 4.800000e+01 : f32
    %broadcast_in_dim3A_541 = vector.broadcast %jit3A_540 : f32 to vector<512x128xf32>
    %select_n3A_542 = arith.select %lt3A_538, %broadcast_in_dim3A_541, %select_n3A_531 : vector<512x128xi1>, vector<512x128xf32>
    %slice3A_543 = vector.extract_strided_slice %get3A_11 {offsets = [0, 6272], sizes = [1, 128], strides = [1, 1]} : vector<1x8192xf32> to vector<1x128xf32>
    %add3A_544 = vector.broadcast %broadcast_in_dim3A : vector<512x1xf32> to vector<512x128xf32>
    %add3A_545 = vector.broadcast %slice3A_543 : vector<1x128xf32> to vector<512x128xf32>
    %add3A_546 = arith.addf %add3A_544, %add3A_545 : vector<512x128xf32>
    %slice3A_547 = vector.extract_strided_slice %dot_general3A_7 {offsets = [0, 6272], sizes = [512, 128], strides = [1, 1]} : vector<512x8192xf32> to vector<512x128xf32>
    %add3A_548 = arith.addf %add3A_546, %slice3A_547 : vector<512x128xf32>
    %lt3A_549 = arith.cmpf olt, %add3A_548, %select_n3A_539 : vector<512x128xf32>
    %select_n3A_550 = arith.select %lt3A_549, %add3A_548, %select_n3A_539 : vector<512x128xi1>, vector<512x128xf32>
    %jit3A_551 = arith.constant 4.900000e+01 : f32
    %broadcast_in_dim3A_552 = vector.broadcast %jit3A_551 : f32 to vector<512x128xf32>
    %select_n3A_553 = arith.select %lt3A_549, %broadcast_in_dim3A_552, %select_n3A_542 : vector<512x128xi1>, vector<512x128xf32>
    %slice3A_554 = vector.extract_strided_slice %get3A_11 {offsets = [0, 6400], sizes = [1, 128], strides = [1, 1]} : vector<1x8192xf32> to vector<1x128xf32>
    %add3A_555 = vector.broadcast %broadcast_in_dim3A : vector<512x1xf32> to vector<512x128xf32>
    %add3A_556 = vector.broadcast %slice3A_554 : vector<1x128xf32> to vector<512x128xf32>
    %add3A_557 = arith.addf %add3A_555, %add3A_556 : vector<512x128xf32>
    %slice3A_558 = vector.extract_strided_slice %dot_general3A_7 {offsets = [0, 6400], sizes = [512, 128], strides = [1, 1]} : vector<512x8192xf32> to vector<512x128xf32>
    %add3A_559 = arith.addf %add3A_557, %slice3A_558 : vector<512x128xf32>
    %lt3A_560 = arith.cmpf olt, %add3A_559, %select_n3A_550 : vector<512x128xf32>
    %select_n3A_561 = arith.select %lt3A_560, %add3A_559, %select_n3A_550 : vector<512x128xi1>, vector<512x128xf32>
    %jit3A_562 = arith.constant 5.000000e+01 : f32
    %broadcast_in_dim3A_563 = vector.broadcast %jit3A_562 : f32 to vector<512x128xf32>
    %select_n3A_564 = arith.select %lt3A_560, %broadcast_in_dim3A_563, %select_n3A_553 : vector<512x128xi1>, vector<512x128xf32>
    %slice3A_565 = vector.extract_strided_slice %get3A_11 {offsets = [0, 6528], sizes = [1, 128], strides = [1, 1]} : vector<1x8192xf32> to vector<1x128xf32>
    %add3A_566 = vector.broadcast %broadcast_in_dim3A : vector<512x1xf32> to vector<512x128xf32>
    %add3A_567 = vector.broadcast %slice3A_565 : vector<1x128xf32> to vector<512x128xf32>
    %add3A_568 = arith.addf %add3A_566, %add3A_567 : vector<512x128xf32>
    %slice3A_569 = vector.extract_strided_slice %dot_general3A_7 {offsets = [0, 6528], sizes = [512, 128], strides = [1, 1]} : vector<512x8192xf32> to vector<512x128xf32>
    %add3A_570 = arith.addf %add3A_568, %slice3A_569 : vector<512x128xf32>
    %lt3A_571 = arith.cmpf olt, %add3A_570, %select_n3A_561 : vector<512x128xf32>
    %select_n3A_572 = arith.select %lt3A_571, %add3A_570, %select_n3A_561 : vector<512x128xi1>, vector<512x128xf32>
    %jit3A_573 = arith.constant 5.100000e+01 : f32
    %broadcast_in_dim3A_574 = vector.broadcast %jit3A_573 : f32 to vector<512x128xf32>
    %select_n3A_575 = arith.select %lt3A_571, %broadcast_in_dim3A_574, %select_n3A_564 : vector<512x128xi1>, vector<512x128xf32>
    %slice3A_576 = vector.extract_strided_slice %get3A_11 {offsets = [0, 6656], sizes = [1, 128], strides = [1, 1]} : vector<1x8192xf32> to vector<1x128xf32>
    %add3A_577 = vector.broadcast %broadcast_in_dim3A : vector<512x1xf32> to vector<512x128xf32>
    %add3A_578 = vector.broadcast %slice3A_576 : vector<1x128xf32> to vector<512x128xf32>
    %add3A_579 = arith.addf %add3A_577, %add3A_578 : vector<512x128xf32>
    %slice3A_580 = vector.extract_strided_slice %dot_general3A_7 {offsets = [0, 6656], sizes = [512, 128], strides = [1, 1]} : vector<512x8192xf32> to vector<512x128xf32>
    %add3A_581 = arith.addf %add3A_579, %slice3A_580 : vector<512x128xf32>
    %lt3A_582 = arith.cmpf olt, %add3A_581, %select_n3A_572 : vector<512x128xf32>
    %select_n3A_583 = arith.select %lt3A_582, %add3A_581, %select_n3A_572 : vector<512x128xi1>, vector<512x128xf32>
    %jit3A_584 = arith.constant 5.200000e+01 : f32
    %broadcast_in_dim3A_585 = vector.broadcast %jit3A_584 : f32 to vector<512x128xf32>
    %select_n3A_586 = arith.select %lt3A_582, %broadcast_in_dim3A_585, %select_n3A_575 : vector<512x128xi1>, vector<512x128xf32>
    %slice3A_587 = vector.extract_strided_slice %get3A_11 {offsets = [0, 6784], sizes = [1, 128], strides = [1, 1]} : vector<1x8192xf32> to vector<1x128xf32>
    %add3A_588 = vector.broadcast %broadcast_in_dim3A : vector<512x1xf32> to vector<512x128xf32>
    %add3A_589 = vector.broadcast %slice3A_587 : vector<1x128xf32> to vector<512x128xf32>
    %add3A_590 = arith.addf %add3A_588, %add3A_589 : vector<512x128xf32>
    %slice3A_591 = vector.extract_strided_slice %dot_general3A_7 {offsets = [0, 6784], sizes = [512, 128], strides = [1, 1]} : vector<512x8192xf32> to vector<512x128xf32>
    %add3A_592 = arith.addf %add3A_590, %slice3A_591 : vector<512x128xf32>
    %lt3A_593 = arith.cmpf olt, %add3A_592, %select_n3A_583 : vector<512x128xf32>
    %select_n3A_594 = arith.select %lt3A_593, %add3A_592, %select_n3A_583 : vector<512x128xi1>, vector<512x128xf32>
    %jit3A_595 = arith.constant 5.300000e+01 : f32
    %broadcast_in_dim3A_596 = vector.broadcast %jit3A_595 : f32 to vector<512x128xf32>
    %select_n3A_597 = arith.select %lt3A_593, %broadcast_in_dim3A_596, %select_n3A_586 : vector<512x128xi1>, vector<512x128xf32>
    %slice3A_598 = vector.extract_strided_slice %get3A_11 {offsets = [0, 6912], sizes = [1, 128], strides = [1, 1]} : vector<1x8192xf32> to vector<1x128xf32>
    %add3A_599 = vector.broadcast %broadcast_in_dim3A : vector<512x1xf32> to vector<512x128xf32>
    %add3A_600 = vector.broadcast %slice3A_598 : vector<1x128xf32> to vector<512x128xf32>
    %add3A_601 = arith.addf %add3A_599, %add3A_600 : vector<512x128xf32>
    %slice3A_602 = vector.extract_strided_slice %dot_general3A_7 {offsets = [0, 6912], sizes = [512, 128], strides = [1, 1]} : vector<512x8192xf32> to vector<512x128xf32>
    %add3A_603 = arith.addf %add3A_601, %slice3A_602 : vector<512x128xf32>
    %lt3A_604 = arith.cmpf olt, %add3A_603, %select_n3A_594 : vector<512x128xf32>
    %select_n3A_605 = arith.select %lt3A_604, %add3A_603, %select_n3A_594 : vector<512x128xi1>, vector<512x128xf32>
    %jit3A_606 = arith.constant 5.400000e+01 : f32
    %broadcast_in_dim3A_607 = vector.broadcast %jit3A_606 : f32 to vector<512x128xf32>
    %select_n3A_608 = arith.select %lt3A_604, %broadcast_in_dim3A_607, %select_n3A_597 : vector<512x128xi1>, vector<512x128xf32>
    %slice3A_609 = vector.extract_strided_slice %get3A_11 {offsets = [0, 7040], sizes = [1, 128], strides = [1, 1]} : vector<1x8192xf32> to vector<1x128xf32>
    %add3A_610 = vector.broadcast %broadcast_in_dim3A : vector<512x1xf32> to vector<512x128xf32>
    %add3A_611 = vector.broadcast %slice3A_609 : vector<1x128xf32> to vector<512x128xf32>
    %add3A_612 = arith.addf %add3A_610, %add3A_611 : vector<512x128xf32>
    %slice3A_613 = vector.extract_strided_slice %dot_general3A_7 {offsets = [0, 7040], sizes = [512, 128], strides = [1, 1]} : vector<512x8192xf32> to vector<512x128xf32>
    %add3A_614 = arith.addf %add3A_612, %slice3A_613 : vector<512x128xf32>
    %lt3A_615 = arith.cmpf olt, %add3A_614, %select_n3A_605 : vector<512x128xf32>
    %select_n3A_616 = arith.select %lt3A_615, %add3A_614, %select_n3A_605 : vector<512x128xi1>, vector<512x128xf32>
    %jit3A_617 = arith.constant 5.500000e+01 : f32
    %broadcast_in_dim3A_618 = vector.broadcast %jit3A_617 : f32 to vector<512x128xf32>
    %select_n3A_619 = arith.select %lt3A_615, %broadcast_in_dim3A_618, %select_n3A_608 : vector<512x128xi1>, vector<512x128xf32>
    %slice3A_620 = vector.extract_strided_slice %get3A_11 {offsets = [0, 7168], sizes = [1, 128], strides = [1, 1]} : vector<1x8192xf32> to vector<1x128xf32>
    %add3A_621 = vector.broadcast %broadcast_in_dim3A : vector<512x1xf32> to vector<512x128xf32>
    %add3A_622 = vector.broadcast %slice3A_620 : vector<1x128xf32> to vector<512x128xf32>
    %add3A_623 = arith.addf %add3A_621, %add3A_622 : vector<512x128xf32>
    %slice3A_624 = vector.extract_strided_slice %dot_general3A_7 {offsets = [0, 7168], sizes = [512, 128], strides = [1, 1]} : vector<512x8192xf32> to vector<512x128xf32>
    %add3A_625 = arith.addf %add3A_623, %slice3A_624 : vector<512x128xf32>
    %lt3A_626 = arith.cmpf olt, %add3A_625, %select_n3A_616 : vector<512x128xf32>
    %select_n3A_627 = arith.select %lt3A_626, %add3A_625, %select_n3A_616 : vector<512x128xi1>, vector<512x128xf32>
    %jit3A_628 = arith.constant 5.600000e+01 : f32
    %broadcast_in_dim3A_629 = vector.broadcast %jit3A_628 : f32 to vector<512x128xf32>
    %select_n3A_630 = arith.select %lt3A_626, %broadcast_in_dim3A_629, %select_n3A_619 : vector<512x128xi1>, vector<512x128xf32>
    %slice3A_631 = vector.extract_strided_slice %get3A_11 {offsets = [0, 7296], sizes = [1, 128], strides = [1, 1]} : vector<1x8192xf32> to vector<1x128xf32>
    %add3A_632 = vector.broadcast %broadcast_in_dim3A : vector<512x1xf32> to vector<512x128xf32>
    %add3A_633 = vector.broadcast %slice3A_631 : vector<1x128xf32> to vector<512x128xf32>
    %add3A_634 = arith.addf %add3A_632, %add3A_633 : vector<512x128xf32>
    %slice3A_635 = vector.extract_strided_slice %dot_general3A_7 {offsets = [0, 7296], sizes = [512, 128], strides = [1, 1]} : vector<512x8192xf32> to vector<512x128xf32>
    %add3A_636 = arith.addf %add3A_634, %slice3A_635 : vector<512x128xf32>
    %lt3A_637 = arith.cmpf olt, %add3A_636, %select_n3A_627 : vector<512x128xf32>
    %select_n3A_638 = arith.select %lt3A_637, %add3A_636, %select_n3A_627 : vector<512x128xi1>, vector<512x128xf32>
    %jit3A_639 = arith.constant 5.700000e+01 : f32
    %broadcast_in_dim3A_640 = vector.broadcast %jit3A_639 : f32 to vector<512x128xf32>
    %select_n3A_641 = arith.select %lt3A_637, %broadcast_in_dim3A_640, %select_n3A_630 : vector<512x128xi1>, vector<512x128xf32>
    %slice3A_642 = vector.extract_strided_slice %get3A_11 {offsets = [0, 7424], sizes = [1, 128], strides = [1, 1]} : vector<1x8192xf32> to vector<1x128xf32>
    %add3A_643 = vector.broadcast %broadcast_in_dim3A : vector<512x1xf32> to vector<512x128xf32>
    %add3A_644 = vector.broadcast %slice3A_642 : vector<1x128xf32> to vector<512x128xf32>
    %add3A_645 = arith.addf %add3A_643, %add3A_644 : vector<512x128xf32>
    %slice3A_646 = vector.extract_strided_slice %dot_general3A_7 {offsets = [0, 7424], sizes = [512, 128], strides = [1, 1]} : vector<512x8192xf32> to vector<512x128xf32>
    %add3A_647 = arith.addf %add3A_645, %slice3A_646 : vector<512x128xf32>
    %lt3A_648 = arith.cmpf olt, %add3A_647, %select_n3A_638 : vector<512x128xf32>
    %select_n3A_649 = arith.select %lt3A_648, %add3A_647, %select_n3A_638 : vector<512x128xi1>, vector<512x128xf32>
    %jit3A_650 = arith.constant 5.800000e+01 : f32
    %broadcast_in_dim3A_651 = vector.broadcast %jit3A_650 : f32 to vector<512x128xf32>
    %select_n3A_652 = arith.select %lt3A_648, %broadcast_in_dim3A_651, %select_n3A_641 : vector<512x128xi1>, vector<512x128xf32>
    %slice3A_653 = vector.extract_strided_slice %get3A_11 {offsets = [0, 7552], sizes = [1, 128], strides = [1, 1]} : vector<1x8192xf32> to vector<1x128xf32>
    %add3A_654 = vector.broadcast %broadcast_in_dim3A : vector<512x1xf32> to vector<512x128xf32>
    %add3A_655 = vector.broadcast %slice3A_653 : vector<1x128xf32> to vector<512x128xf32>
    %add3A_656 = arith.addf %add3A_654, %add3A_655 : vector<512x128xf32>
    %slice3A_657 = vector.extract_strided_slice %dot_general3A_7 {offsets = [0, 7552], sizes = [512, 128], strides = [1, 1]} : vector<512x8192xf32> to vector<512x128xf32>
    %add3A_658 = arith.addf %add3A_656, %slice3A_657 : vector<512x128xf32>
    %lt3A_659 = arith.cmpf olt, %add3A_658, %select_n3A_649 : vector<512x128xf32>
    %select_n3A_660 = arith.select %lt3A_659, %add3A_658, %select_n3A_649 : vector<512x128xi1>, vector<512x128xf32>
    %jit3A_661 = arith.constant 5.900000e+01 : f32
    %broadcast_in_dim3A_662 = vector.broadcast %jit3A_661 : f32 to vector<512x128xf32>
    %select_n3A_663 = arith.select %lt3A_659, %broadcast_in_dim3A_662, %select_n3A_652 : vector<512x128xi1>, vector<512x128xf32>
    %slice3A_664 = vector.extract_strided_slice %get3A_11 {offsets = [0, 7680], sizes = [1, 128], strides = [1, 1]} : vector<1x8192xf32> to vector<1x128xf32>
    %add3A_665 = vector.broadcast %broadcast_in_dim3A : vector<512x1xf32> to vector<512x128xf32>
    %add3A_666 = vector.broadcast %slice3A_664 : vector<1x128xf32> to vector<512x128xf32>
    %add3A_667 = arith.addf %add3A_665, %add3A_666 : vector<512x128xf32>
    %slice3A_668 = vector.extract_strided_slice %dot_general3A_7 {offsets = [0, 7680], sizes = [512, 128], strides = [1, 1]} : vector<512x8192xf32> to vector<512x128xf32>
    %add3A_669 = arith.addf %add3A_667, %slice3A_668 : vector<512x128xf32>
    %lt3A_670 = arith.cmpf olt, %add3A_669, %select_n3A_660 : vector<512x128xf32>
    %select_n3A_671 = arith.select %lt3A_670, %add3A_669, %select_n3A_660 : vector<512x128xi1>, vector<512x128xf32>
    %jit3A_672 = arith.constant 6.000000e+01 : f32
    %broadcast_in_dim3A_673 = vector.broadcast %jit3A_672 : f32 to vector<512x128xf32>
    %select_n3A_674 = arith.select %lt3A_670, %broadcast_in_dim3A_673, %select_n3A_663 : vector<512x128xi1>, vector<512x128xf32>
    %slice3A_675 = vector.extract_strided_slice %get3A_11 {offsets = [0, 7808], sizes = [1, 128], strides = [1, 1]} : vector<1x8192xf32> to vector<1x128xf32>
    %add3A_676 = vector.broadcast %broadcast_in_dim3A : vector<512x1xf32> to vector<512x128xf32>
    %add3A_677 = vector.broadcast %slice3A_675 : vector<1x128xf32> to vector<512x128xf32>
    %add3A_678 = arith.addf %add3A_676, %add3A_677 : vector<512x128xf32>
    %slice3A_679 = vector.extract_strided_slice %dot_general3A_7 {offsets = [0, 7808], sizes = [512, 128], strides = [1, 1]} : vector<512x8192xf32> to vector<512x128xf32>
    %add3A_680 = arith.addf %add3A_678, %slice3A_679 : vector<512x128xf32>
    %lt3A_681 = arith.cmpf olt, %add3A_680, %select_n3A_671 : vector<512x128xf32>
    %select_n3A_682 = arith.select %lt3A_681, %add3A_680, %select_n3A_671 : vector<512x128xi1>, vector<512x128xf32>
    %jit3A_683 = arith.constant 6.100000e+01 : f32
    %broadcast_in_dim3A_684 = vector.broadcast %jit3A_683 : f32 to vector<512x128xf32>
    %select_n3A_685 = arith.select %lt3A_681, %broadcast_in_dim3A_684, %select_n3A_674 : vector<512x128xi1>, vector<512x128xf32>
    %slice3A_686 = vector.extract_strided_slice %get3A_11 {offsets = [0, 7936], sizes = [1, 128], strides = [1, 1]} : vector<1x8192xf32> to vector<1x128xf32>
    %add3A_687 = vector.broadcast %broadcast_in_dim3A : vector<512x1xf32> to vector<512x128xf32>
    %add3A_688 = vector.broadcast %slice3A_686 : vector<1x128xf32> to vector<512x128xf32>
    %add3A_689 = arith.addf %add3A_687, %add3A_688 : vector<512x128xf32>
    %slice3A_690 = vector.extract_strided_slice %dot_general3A_7 {offsets = [0, 7936], sizes = [512, 128], strides = [1, 1]} : vector<512x8192xf32> to vector<512x128xf32>
    %add3A_691 = arith.addf %add3A_689, %slice3A_690 : vector<512x128xf32>
    %lt3A_692 = arith.cmpf olt, %add3A_691, %select_n3A_682 : vector<512x128xf32>
    %select_n3A_693 = arith.select %lt3A_692, %add3A_691, %select_n3A_682 : vector<512x128xi1>, vector<512x128xf32>
    %jit3A_694 = arith.constant 6.200000e+01 : f32
    %broadcast_in_dim3A_695 = vector.broadcast %jit3A_694 : f32 to vector<512x128xf32>
    %select_n3A_696 = arith.select %lt3A_692, %broadcast_in_dim3A_695, %select_n3A_685 : vector<512x128xi1>, vector<512x128xf32>
    %slice3A_697 = vector.extract_strided_slice %get3A_11 {offsets = [0, 8064], sizes = [1, 128], strides = [1, 1]} : vector<1x8192xf32> to vector<1x128xf32>
    %add3A_698 = vector.broadcast %broadcast_in_dim3A : vector<512x1xf32> to vector<512x128xf32>
    %add3A_699 = vector.broadcast %slice3A_697 : vector<1x128xf32> to vector<512x128xf32>
    %add3A_700 = arith.addf %add3A_698, %add3A_699 : vector<512x128xf32>
    %slice3A_701 = vector.extract_strided_slice %dot_general3A_7 {offsets = [0, 8064], sizes = [512, 128], strides = [1, 1]} : vector<512x8192xf32> to vector<512x128xf32>
    %add3A_702 = arith.addf %add3A_700, %slice3A_701 : vector<512x128xf32>
    %lt3A_703 = arith.cmpf olt, %add3A_702, %select_n3A_693 : vector<512x128xf32>
    %select_n3A_704 = arith.select %lt3A_703, %add3A_702, %select_n3A_693 : vector<512x128xi1>, vector<512x128xf32>
    %jit3A_705 = arith.constant 6.300000e+01 : f32
    %broadcast_in_dim3A_706 = vector.broadcast %jit3A_705 : f32 to vector<512x128xf32>
    %select_n3A_707 = arith.select %lt3A_703, %broadcast_in_dim3A_706, %select_n3A_696 : vector<512x128xi1>, vector<512x128xf32>
    %iota3A = tpu.iota {dimensions = array<i32: 1>} : vector<512x128xi32>
    %convert_element_type3A_708 = arith.sitofp %iota3A : vector<512x128xi32> to vector<512x128xf32>
    %mul3A_709 = arith.constant 1.280000e+02 : f32
    %mul3A_710 = vector.broadcast %mul3A_709 : f32 to vector<512x128xf32>
    %mul3A_711 = arith.mulf %select_n3A_707, %mul3A_710 : vector<512x128xf32>
    %add3A_712 = arith.addf %mul3A_711, %convert_element_type3A_708 : vector<512x128xf32>
    %reduce_min3A = arith.constant dense<0x7F800000> : vector<512xf32>
    %reduce_min3A_713 = vector.multi_reduction <minimumf>, %select_n3A_704, %reduce_min3A [1] : vector<512x128xf32> to vector<512xf32>
    %broadcast_in_dim3A_714 = vector.shape_cast %reduce_min3A_713 : vector<512xf32> to vector<512x1xf32>
    %eq3A_715 = vector.broadcast %broadcast_in_dim3A_714 : vector<512x1xf32> to vector<512x128xf32>
    %eq3A_716 = arith.cmpf oeq, %select_n3A_704, %eq3A_715 : vector<512x128xf32>
    %jit3A_717 = arith.constant 8.192000e+03 : f32
    %broadcast_in_dim3A_718 = vector.broadcast %jit3A_717 : f32 to vector<512x128xf32>
    %select_n3A_719 = arith.select %eq3A_716, %add3A_712, %broadcast_in_dim3A_718 : vector<512x128xi1>, vector<512x128xf32>
    %reduce_min3A_720 = arith.constant dense<0x7F800000> : vector<512xf32>
    %reduce_min3A_721 = vector.multi_reduction <minimumf>, %select_n3A_719, %reduce_min3A_720 [1] : vector<512x128xf32> to vector<512xf32>
    %convert_element_type3A_722 = arith.fptosi %reduce_min3A_721 : vector<512xf32> to vector<512xi32>
    %swap3A = arith.constant 0 : index
    %swap3A_723 = vector.load %arg3[%swap3A] : memref<512xi32, #tpu.memory_space<vmem>>, vector<512xi32>
    tpu.vector_store %arg3[%swap3A], %convert_element_type3A_722 {strides = array<i32>} : memref<512xi32, #tpu.memory_space<vmem>>, vector<512xi32>,
    return
  }
  func.func @transform_0(%arg0: i32) -> (i32, i32) {
    %c0_i32 = arith.constant 0 : i32
    %c0_i32_0 = arith.constant 0 : i32
    return %arg0, %c0_i32 : i32, i32
  }
  func.func @transform_1(%arg0: i32) -> (i32, i32) {
    %c0_i32 = arith.constant 0 : i32
    %c0_i32_0 = arith.constant 0 : i32
    %c0_i32_1 = arith.constant 0 : i32
    return %c0_i32, %c0_i32_0 : i32, i32
  }
  func.func @transform_2(%arg0: i32) -> i32 {
    %c0_i32 = arith.constant 0 : i32
    return %arg0 : i32
  }
}

</mosaic_0001>

<sc_bundles>
// kernel: kernel.4.cloned.1.call-start
scs
__scs_entry_jumppad:
0x0: {  	(pc) =	sbr.rel $0x88, $3  }
0x1: {  	(tag) =	ssettag $0x0;
	lr =	simm.s32 $0x1  }
0x2: {  	[smem:$0x3F9F] =	sst lr;
	_ =	strace $0xD0000000  }
0x3: {  	_ = 	snop  }
0x4: {  	_ = 	snop  }
0x5: {  	_ = 	snop  }
0x6: {  	_ = 	snop  }
0x7: {  	_ = 	snop  }
__scs_overlays_trampoline_lowered:
0x8: {  	[smem:$0x3FAE] =	sst s0  }
0x9: {  	[smem:$0x3FAF] =	sst s1  }
0xa: {  	[smem:$0x3FB0] =	sst s2  }
0xb: {  	[smem:$0x3FB1] =	sst s3  }
0xc: {  	[smem:$0x3FB2] =	sst s4  }
0xd: {  	[smem:$0x3FB3] =	sst s5  }
0xe: {  	[smem:$0x3FB4] =	sst s6  }
0xf: {  	[smem:$0x3FB5] =	sst s7  }
0x10: {  	[smem:$0x3FB6] =	sst s8  }
0x11: {  	[smem:$0x3FB7] =	sst s9;
	s0 =	simm.s32 @!p0 $0x0  }
0x12: {  	s1 =	sld [smem:$0x3F9D];
	s0 =	simm.s32 @p0 $0x1  }
0x13: {  	[smem:$0x3FB8] =	sst s0;
	s0 =	simm.s32 @!p1 $0x0  }
0x14: {  	s2 =	sld [smem:$0x3F9C];
	s0 =	simm.s32 @p1 $0x1  }
0x15: {  	[smem:$0x3FB9] =	sst s0;
	s0 =	simm.s32 @!p2 $0x0  }
0x16: {  	s3 =	sld [smem:$0x3FDB];
	s0 =	simm.s32 @p2 $0x1  }
0x17: {  	s4 =	simm.s32 $0x1BF5;
	[smem:$0x3FBB] =	sst s0  }
0x18: {  	s0 =	sld [smem:$0x3F9E];
	_ =	swait.ge [sflag:s4], $0x0  }
0x19: {  	s7 =	sld [smem:$0x3F9F]  }
0x1a: {  	s8 =	sadd.s32 $0xFFFFE003, lr  }
0x1b: {  	s9 =	sadd.s32 $0xFFFFFEF7, lr;
	s5 =	simm.s32 $0xFFFFFFFF;
	p2 =	slt.u32 s8, $0xFFFFF086  }
0x1c: {  	p1 =	slt.u32 s9, $0xF7A;
	s5 =	simm.s32 @!p2 $0x0  }
0x1d: {  	s5 =	simm.s32 @p1 $0x1;
	p0 =	seq.s32 s7, s2  }
0x1e: {  	s7 =	smul.u32 @!p0 $0xF7A, s2;
	p2 =	seq.s32 @!p0 s5, $0x0  }
0x1f: {  	s9 =	smul.u32 $0xF7A, s1;
	s8 =	simm.s32 @!p0 $0x1BF5;
	p2 =	por !p2, p0  }
0x20: {  	[sflag:s8] =	ssyncset.s32 @!p0 $0xFFFFF086;
	s6 =	sadd.s32 @!p0 s3, s7;
	s7 =	simm.s32 @!p0 $0x108  }
0x21: {  	s3 =	sadd.s32 s3, s9;
	s6 =	sadd.s32 @!p0 $0x88, s6;
	s7 =	simm.s32 @p2 $0x1082  }
0x22: {  	[simem:s7], [sflag:s8] =	dma.local @!p0 [hbm:s6], $0xF7A  }
0x23: {  	s9 =	sor.u32 $0xD0000000, s2;
	s6 =	simm.s32 $0x108;
	_ =	swait.ge @!p0 [sflag:s8], $0x0  }
0x24: {  	s3 =	sadd.s32 $0x88, s3;
	s6 =	simm.s32 @!p1 $0x1082;
	[sflag:s4] =	ssyncset.s32 $0xFFFFF086  }
0x25: {  	[simem:s6], [sflag:s4] =	dma.local [hbm:s3], $0xF7A  }
0x26: {  	[smem:$0x3F9F] =	sst s1;
	(tag) =	ssettag s2;
	_ =	strace s9  }
0x27: {  	s1 =	sld [smem:$0x3FAF]  }
0x28: {  	s2 =	sld [smem:$0x3FB0]  }
0x29: {  	s4 =	sld [smem:$0x3FB2]  }
0x2a: {  	p0 =	seq.s32 s5, $0x0;
	s5 =	sld [smem:$0x3FB3]  }
0x2b: {  	s6 =	sld [smem:$0x3FB4]  }
0x2c: {  	s7 =	sld [smem:$0x3FB5]  }
0x2d: {  	s3 =	simm.s32 $0x108;
	s8 =	sld [smem:$0x3FB6]  }
0x2e: {  	s3 =	simm.s32 @!p0 $0x1082;
	s9 =	sld [smem:$0x3FB7]  }
0x2f: {  	lr =	sadd.s32 s0, s3;
	s0 =	sld [smem:$0x3FAE]  }
0x30: {  	s3 =	sld [smem:$0x3FB1]  }
0x31: {  	[smem:$0x3FBA] =	sst s10  }
0x32: {  	s10 =	sld [smem:$0x3FB8];
	_ =	sdelay $0x3  }
0x33: {  	p0 =	seq.s32 s10, $0x1;
	s10 =	sld [smem:$0x3FBA];
	_ =	sdelay $0x3  }
0x34: {  	[smem:$0x3FBA] =	sst s10  }
0x35: {  	s10 =	sld [smem:$0x3FB9];
	_ =	sdelay $0x3  }
0x36: {  	p1 =	seq.s32 s10, $0x1;
	s10 =	sld [smem:$0x3FBA];
	_ =	sdelay $0x3  }
0x37: {  	[smem:$0x3FBA] =	sst s10  }
0x38: {  	s10 =	sld [smem:$0x3FBB]  }
0x39: {  	_ = 	snop;
	(pc) =	sbr.ind lr, $3  }
0x3a: {  	_ = 	snop  }
0x3b: {  	_ = 	snop  }
0x3c: {  	p2 =	seq.s32 s10, $0x1;
	s10 =	sld [smem:$0x3FBA]  }
0x3d: {  	_ =	shalt  }
0x3e: {  	_ =	shalt  }
0x3f: {  	_ =	shalt  }
0x40: {  	_ =	shalt  }
0x41: {  	_ =	shalt  }
0x42: {  	_ =	shalt  }
0x43: {  	_ =	shalt  }
0x44: {  	_ =	shalt  }
0x45: {  	_ =	shalt  }
0x46: {  	_ =	shalt  }
0x47: {  	_ =	shalt  }
0x48: {  	_ =	shalt  }
0x49: {  	_ =	shalt  }
0x4a: {  	_ =	shalt  }
0x4b: {  	_ =	shalt  }
0x4c: {  	_ =	shalt  }
0x4d: {  	_ =	shalt  }
0x4e: {  	_ =	shalt  }
0x4f: {  	_ =	shalt  }
0x50: {  	_ =	shalt  }
0x51: {  	_ =	shalt  }
0x52: {  	_ =	shalt  }
0x53: {  	_ =	shalt  }
0x54: {  	_ =	shalt  }
0x55: {  	_ =	shalt  }
0x56: {  	_ =	shalt  }
0x57: {  	_ =	shalt  }
0x58: {  	_ =	shalt  }
0x59: {  	_ =	shalt  }
0x5a: {  	_ =	shalt  }
0x5b: {  	_ =	shalt  }
0x5c: {  	_ =	shalt  }
0x5d: {  	_ =	shalt  }
0x5e: {  	_ =	shalt  }
0x5f: {  	_ =	shalt  }
0x60: {  	_ =	shalt  }
0x61: {  	_ =	shalt  }
0x62: {  	_ =	shalt  }
0x63: {  	_ =	shalt  }
0x64: {  	_ =	shalt  }
0x65: {  	_ =	shalt  }
0x66: {  	_ =	shalt  }
0x67: {  	_ =	shalt  }
0x68: {  	_ =	shalt  }
0x69: {  	_ =	shalt  }
0x6a: {  	_ =	shalt  }
0x6b: {  	_ =	shalt  }
0x6c: {  	_ =	shalt  }
0x6d: {  	_ =	shalt  }
0x6e: {  	_ =	shalt  }
0x6f: {  	_ =	shalt  }
0x70: {  	_ =	shalt  }
0x71: {  	_ =	shalt  }
0x72: {  	_ =	shalt  }
0x73: {  	_ =	shalt  }
0x74: {  	_ =	shalt  }
0x75: {  	_ =	shalt  }
0x76: {  	_ =	shalt  }
0x77: {  	_ =	shalt  }
0x78: {  	_ =	shalt  }
0x79: {  	_ =	shalt  }
0x7a: {  	_ =	shalt  }
0x7b: {  	_ =	shalt  }
0x7c: {  	_ =	shalt  }
0x7d: {  	_ =	shalt  }
0x7e: {  	_ =	shalt  }
0x7f: {  	_ =	shalt  }
0x80: {  	_ =	shalt  }
0x81: {  	_ =	shalt  }
0x82: {  	_ =	shalt  }
0x83: {  	_ =	shalt  }
0x84: {  	_ =	shalt  }
0x85: {  	_ =	shalt  }
0x86: {  	_ =	shalt  }
0x87: {  	_ =	shalt  }
.Lfunc_end0:
.L_simem_size_0:
called_computation_lowered:
.L_overlay_start_0:
0x88: {  	s2 =	sld [smem:$0x3FD9]  }
0x89: {  	s3 =	sld [smem:$0x3FFE];
	_ =	sdelay $0x1  }
0x8a: {  	s1 =	srdreg.scid  }
0x8b: {  	s0 =	sand.u32 $0x1, s1  }
0x8c: {  	s14 =	sshll.u32 s0, $0xA;
	s2 =	sadd.s32 s3, s2  }
0x8d: {  	s2 =	sadd.s32 s2, s14  }
0x8e: {  	[smem:$0x3FC6] =	sst s2  }
0x8f: {  	_ = 	snop  }
0x90: {  	s2 =	sld [smem:$0x3FD0];
	_ =	sdelay $0x2  }
0x91: {  	s15 =	simm.s32 $0xA;
	s4 =	simm.s32 $0x10  }
0x92: {  	[smem:s4], [sflag:s15] =	dma.local [hbm:s2], $0x1  }
0x93: {  	_ =	swait.eq [sflag:s15], $0x1  }
0x94: {  	[sflag:s15] =	ssyncset.done $0x0  }
0x95: {  	s16 =	sld [smem:$0x10];
	[sflag:s15] =	ssyncadd.s32 $0xFFFFFFFF  }
0x96: {  	s17 =	sld [smem:$0x11];
	(tm) =	ssettm $0x1  }
0x97: {  	s18 =	sld [smem:$0x3FFB];
	_ =	sdelay $0x3  }
0x98: {  	_ =	strace s18  }
0x99: {  	s4 =	sld [smem:$0x3FFC];
	_ =	sdelay $0x3  }
0x9a: {  	_ =	strace s4  }
0x9b: {  	s4 =	sld [smem:$0x3FFD];
	_ =	sdelay $0x3  }
0x9c: {  	_ =	strace s4  }
0x9d: {  	_ =	strace $0x8FFFFFFF  }
0x9e: {  	s19 =	sld [smem:$0x3FDB];
	_ =	sdelay $0x1  }
0x9f: {  	s5 =	simm.s32 $_scs_section_size  }
0xa0: {  	s6 =	simm.s32 $_size__tile_overlayer_lowered;
	s7 =	simm.s32 $_tile_overlayer_lowered  }
0xa1: {  	s22 =	simm.s32 $0x1BFF;
	s21 =	sshll.u32 s7, $0x1;
	s4 =	sadd.s32 s5, s19  }
0xa2: {  	s8 =	simm.s32 $0x0;
	s20 =	sshll.u32 s6, $0x1;
	s6 =	sadd.s32 s21, s4  }
0xa3: {  	[timem:s8], [sflag:s22] =	dma.local [hbm:s6], s20  }
0xa4: {  	_ =	swait.ge [sflag:s22], s20  }
0xa5: {  	s5 =	ssub.s32 $0x0, s20;
	[sflag:s22] =	ssyncset.done $0x0  }
0xa6: {  	[sflag:s22] =	ssyncadd.s32 s5;
	_ =	sdelay $0x1  }
0xa7: {  	s23 =	simm.s32 $0x1B8B  }
0xa8: {  	_ =	swait.ge [sflag:s23], $0x1  }
0xa9: {  	[sflag:s23] =	ssyncset.done $0x0  }
0xaa: {  	s25 =	simm.s32 $0x1B8E;
	s24 =	sld [smem:$0x3FFE];
	[sflag:s23] =	ssyncadd.s32 $0xFFFFFFFF  }
0xab: {  	s26 =	simm.s32 $execute0_lowered;
	[smem:$0x3FD2] =	sst s25  }
0xac: {  	s6 =	sshll.u32 s26, $0x1;
	_ =	strace $0x80000046;
	[dreg:$0x1] =	wrdreg $0xFFFFFFFF  }
0xad: {  	s28 =	simm.s32 $_size_execute0_lowered;
	s4 =	sadd.s32 s4, s6;
	[dreg:$0x0] =	wrdreg $0x0  }
0xae: {  	s6 =	sshll.u32 s28, $0x1;
	[dreg:$0x2] =	wrdreg s4  }
0xaf: {  	[dreg:$0x3] =	wrdreg s6  }
0xb0: {  	[dreg:$0x4] =	wrdreg $0xC0  }
0xb1: {  	_ =	task [dreg:s8], $0x5FFFF  }
0xb2: {  	[dreg:$0x1] =	wrdreg $0xFFFFFFFF  }
0xb3: {  	[dreg:$0x0] =	wrdreg $0x60  }
0xb4: {  	[dreg:$0x2] =	wrdreg s24  }
0xb5: {  	[dreg:$0x3] =	wrdreg s17  }
0xb6: {  	[dreg:$0x4] =	wrdreg s16  }
0xb7: {  	[dreg:$0x5] =	wrdreg $0x9  }
0xb8: {  	_ =	task.clear_ibuf [dreg:s8], $0x6FFFF;
	_ =	strace $0x90000046  }
0xb9: {  	s29 =	simm.s32 $0x9;
	_ =	strace $0x80000048  }
0xba: {  	_ =	swait.ge [sflag:s29], $0x1  }
0xbb: {  	[sflag:s29] =	ssyncadd.s32 $0xFFFFFFFF  }
0xbc: {  	_ =	strace $0x90000048  }
0xbd: {  	_ =	sfence  }
0xbe: {  	s30 =	sld [smem:$0x0];
	_ =	sdelay $0x2  }
0xbf: {  	s31 =	sshll.u32 s1, $0xD;
	s1 =	sshrl.u32 s1, $0x2  }
0xc0: {  	s3 =	sand.u32 $0x4000, s31;
	s1 =	sadd.s32 s1, s30  }
0xc1: {  	s0 =	sor.u32 s3, s0;
	s1 =	sshll.u32 s1, $0x11  }
0xc2: {  	s0 =	sor.u32 s1, s0  }
0xc3: {  	s0 =	sadd.s32 $0x8F2B, s0  }
0xc4: {  	[sflag:s0] =	ssyncadd.remote.s32 $0x1  }
0xc5: {  	_ =	sfence.sel $0xFFFF  }
0xc6: {  	[dreg:$0x0] =	wrdreg $0xFFFFFFFF;
	(pc) =	sbr.abs _section_cstart, $3  }
0xc7: {  	[dreg:$0x1] =	wrdreg $0xFFFFFFFF  }
0xc8: {  	_ =	task.clear_ibuf [dreg:s8], $0x2FFFF;
	_ =	strace $0x9FFFFFFF  }
0xc9: {  	(tm) =	ssettm $0x7FFFFFFF  }
tec
execute0_lowered:
.L_overlay_start_1:
0x0: {  	(tag) =	ssettag $0x1  }
0x1: {  	s1 =	srdreg.scid  }
0x2: {  	s19 =	rddreg [dreg:$0x0];
	s0 =	stileid.u32;
	s31 =	sand.u32 $0x1, s1  }
0x3: {  	s3 =	rddreg [dreg:$0x1];
	s26 =	sshll.u32 s0, $0xB;
	s4 =	sshll.u32 s31, $0xA  }
0x4: {  	s30 =	rddreg [dreg:$0x2];
	s2 =	simm.s32 $0x0;
	s1 =	sor.u32 s4, s26  }
0x5: {  	[smem:$0x7FF] =	sst s2;
	s4 =	sshrl.u32 s1, $0x3  }
0x6: {  	_ =	strace $0x80000047;
	s4 =	sadd.s32 s3, s4;
	s3 =	simm.s32 $0x2  }
0x7: {  	[tilespmem:s2], [sflag:$0x2] =	stream.linear.gather [hbm4b:s4+s2], $0x80, $0x38;
	[tilespmem:$0x8400] =	vst v63  }
0x8: {  	_ =	swait.ge [sflag:s3], $0x80  }
0x9: {  	[sflag:s3] =	ssyncset.done $0x0  }
0xa: {  	s6 =	simm.s32 $0x80;
	s5 =	sadd.s32 $0x10, s4;
	[sflag:s3] =	ssyncadd.s32 $0xFFFFFF80  }
0xb: {  	[tilespmem:s6], [sflag:$0x2] =	stream.linear.gather [hbm4b:s5+s2], $0x80, $0x38;
	[tilespmem:$0x8400] =	vst v63  }
0xc: {  	_ =	swait.ge [sflag:s3], $0x80  }
0xd: {  	[sflag:s3] =	ssyncset.done $0x0  }
0xe: {  	s8 =	simm.s32 $0x100;
	s7 =	sadd.s32 $0x20, s4;
	[sflag:s3] =	ssyncadd.s32 $0xFFFFFF80  }
0xf: {  	[tilespmem:s8], [sflag:$0x2] =	stream.linear.gather [hbm4b:s7+s2], $0x80, $0x38;
	[tilespmem:$0x8400] =	vst v63  }
0x10: {  	_ =	swait.ge [sflag:s3], $0x80  }
0x11: {  	[sflag:s3] =	ssyncset.done $0x0  }
0x12: {  	s10 =	simm.s32 $0x180;
	s9 =	sadd.s32 $0x30, s4;
	[sflag:s3] =	ssyncadd.s32 $0xFFFFFF80  }
0x13: {  	[tilespmem:s10], [sflag:$0x2] =	stream.linear.gather [hbm4b:s9+s2], $0x80, $0x38;
	[tilespmem:$0x8400] =	vst v63  }
0x14: {  	_ =	swait.ge [sflag:s3], $0x80  }
0x15: {  	[sflag:s3] =	ssyncset.done $0x0  }
0x16: {  	s12 =	simm.s32 $0x200;
	s11 =	sadd.s32 $0x40, s4;
	[sflag:s3] =	ssyncadd.s32 $0xFFFFFF80  }
0x17: {  	[tilespmem:s12], [sflag:$0x2] =	stream.linear.gather [hbm4b:s11+s2], $0x80, $0x38;
	[tilespmem:$0x8400] =	vst v63  }
0x18: {  	_ =	swait.ge [sflag:s3], $0x80  }
0x19: {  	[sflag:s3] =	ssyncset.done $0x0  }
0x1a: {  	s14 =	simm.s32 $0x280;
	s13 =	sadd.s32 $0x50, s4;
	[sflag:s3] =	ssyncadd.s32 $0xFFFFFF80  }
0x1b: {  	[tilespmem:s14], [sflag:$0x2] =	stream.linear.gather [hbm4b:s13+s2], $0x80, $0x38;
	[tilespmem:$0x8400] =	vst v63  }
0x1c: {  	_ =	swait.ge [sflag:s3], $0x80  }
0x1d: {  	[sflag:s3] =	ssyncset.done $0x0  }
0x1e: {  	s16 =	simm.s32 $0x300;
	s15 =	sadd.s32 $0x60, s4;
	[sflag:s3] =	ssyncadd.s32 $0xFFFFFF80  }
0x1f: {  	[tilespmem:s16], [sflag:$0x2] =	stream.linear.gather [hbm4b:s15+s2], $0x80, $0x38;
	[tilespmem:$0x8400] =	vst v63  }
0x20: {  	_ =	swait.ge [sflag:s3], $0x80  }
0x21: {  	[sflag:s3] =	ssyncset.done $0x0  }
0x22: {  	s18 =	simm.s32 $0x380;
	s17 =	sadd.s32 $0x70, s4;
	[sflag:s3] =	ssyncadd.s32 $0xFFFFFF80  }
0x23: {  	[tilespmem:s18], [sflag:$0x2] =	stream.linear.gather [hbm4b:s17+s2], $0x80, $0x38;
	[tilespmem:$0x8400] =	vst v63  }
0x24: {  	_ =	swait.ge [sflag:s3], $0x80  }
0x25: {  	[sflag:s3] =	ssyncset.done $0x0  }
0x26: {  	s20 =	simm.s32 $0x400;
	s19 =	sadd.s32 $0x600, s19;
	[sflag:s3] =	ssyncadd.s32 $0xFFFFFF80  }
0x27: {  	[tilespmem:s20], [sflag:$0x1] =	stream.indirect.gather [hbm4b:s19+s6], $0x20, s2, s6, $0xb8;
	[tilespmem:$0x8400] =	vst v63  }
0x28: {  	s21 =	simm.s32 $0x1400  }
0x29: {  	[tilespmem:s21], [sflag:$0x1] =	stream.indirect.gather [hbm4b:s19+s6], $0x20, s6, s6, $0xb8;
	[tilespmem:$0x8400] =	vst v63  }
0x2a: {  	s22 =	simm.s32 $0x2400  }
0x2b: {  	[tilespmem:s22], [sflag:$0x1] =	stream.indirect.gather [hbm4b:s19+s6], $0x20, s8, s6, $0xb8;
	[tilespmem:$0x8400] =	vst v63  }
0x2c: {  	s23 =	simm.s32 $0x3400  }
0x2d: {  	[tilespmem:s23], [sflag:$0x1] =	stream.indirect.gather [hbm4b:s19+s6], $0x20, s10, s6, $0xb8;
	[tilespmem:$0x8400] =	vst v63  }
0x2e: {  	s24 =	simm.s32 $0x4400  }
0x2f: {  	[tilespmem:s24], [sflag:$0x1] =	stream.indirect.gather [hbm4b:s19+s6], $0x20, s12, s6, $0xb8;
	[tilespmem:$0x8400] =	vst v63  }
0x30: {  	s25 =	simm.s32 $0x5400  }
0x31: {  	[tilespmem:s25], [sflag:$0x1] =	stream.indirect.gather [hbm4b:s19+s6], $0x20, s14, s6, $0xb8;
	[tilespmem:$0x8400] =	vst v63  }
0x32: {  	s26 =	simm.s32 $0x6400  }
0x33: {  	[tilespmem:s26], [sflag:$0x1] =	stream.indirect.gather [hbm4b:s19+s6], $0x20, s16, s6, $0xb8;
	[tilespmem:$0x8400] =	vst v63  }
0x34: {  	s28 =	simm.s32 $0x7400;
	s29 =	simm.s32 $0x1  }
0x35: {  	[tilespmem:s28], [sflag:$0x1] =	stream.indirect.gather [hbm4b:s19+s6], $0x20, s18, s6, $0xb8;
	[tilespmem:$0x8400] =	vst v63  }
0x36: {  	_ =	swait.ge [sflag:s29], $0x1000  }
0x37: {  	[sflag:s29] =	ssyncset.done $0x0  }
0x38: {  	[sflag:s29] =	ssyncadd.s32 $0xFFFFF000  }
0x39: {  	_ =	swait.ge [sflag:s29], $0x1000  }
0x3a: {  	[sflag:s29] =	ssyncset.done $0x0  }
0x3b: {  	[sflag:s29] =	ssyncadd.s32 $0xFFFFF000  }
0x3c: {  	_ =	swait.ge [sflag:s29], $0x1000  }
0x3d: {  	[sflag:s29] =	ssyncset.done $0x0  }
0x3e: {  	[sflag:s29] =	ssyncadd.s32 $0xFFFFF000  }
0x3f: {  	_ =	swait.ge [sflag:s29], $0x1000  }
0x40: {  	[sflag:s29] =	ssyncset.done $0x0  }
0x41: {  	[sflag:s29] =	ssyncadd.s32 $0xFFFFF000  }
0x42: {  	_ =	swait.ge [sflag:s29], $0x1000  }
0x43: {  	[sflag:s29] =	ssyncset.done $0x0  }
0x44: {  	[sflag:s29] =	ssyncadd.s32 $0xFFFFF000  }
0x45: {  	_ =	swait.ge [sflag:s29], $0x1000  }
0x46: {  	[sflag:s29] =	ssyncset.done $0x0  }
0x47: {  	s31 =	ssub.s32 $0x2, s31;
	[sflag:s29] =	ssyncadd.s32 $0xFFFFF000  }
0x48: {  	s0 =	sshrl.u32 s31, $0x1;
	_ =	swait.ge [sflag:s29], $0x1000  }
0x49: {  	s0 =	ssub.s32 s31, s0;
	[sflag:s29] =	ssyncset.done $0x0  }
0x4a: {  	s0 =	smax.u32 s0, $0x1;
	[sflag:s29] =	ssyncadd.s32 $0xFFFFF000  }
0x4b: {  	p0 =	sne.s32 s0, $0x1;
	_ =	swait.ge [sflag:s29], $0x1000  }
.Ltmp0:
0x4c: {  	s1 =	sshll.u32 s1, $0x2;
	[sflag:s29] =	ssyncset.done $0x0;
	(pc) =	sbr.rel @!p0 .LBB2_2-.Ltmp0, $4  }
0x4d: {  	s30 =	sadd.s32 s30, s1;
	[sflag:s29] =	ssyncadd.s32 $0xFFFFF000  }
0x4e: {  	[hbm4b:s30+s2] =	stream.linear.scatter [tilespmem:s20], [sflag:$0x2], $0x8000, $0x38;
	[tilespmem:$0x8400] =	vst v63  }
0x4f: {  	_ =	swait.ge [sflag:s3], $0x8000  }
0x50: {  	s31 =	sadd.s32 $0xFFFFFFFF, s0;
	[sflag:s3] =	ssyncset.done $0x0  }
.LBB2_1:
0x51: {  	p0 =	sne.s32 s31, $0x1;
	s31 =	sadd.s32 $0xFFFFFFFF, s31;
	[sflag:s3] =	ssyncadd.s32 $0xFFFF8000  }
0x52: {  	[tilespmem:s2], [sflag:$0x2] =	stream.linear.gather [hbm4b:s4+s2], $0x80, $0x38;
	[tilespmem:$0x8400] =	vst v63  }
0x53: {  	_ =	swait.ge [sflag:s3], $0x80  }
0x54: {  	[sflag:s3] =	ssyncset.done $0x0  }
0x55: {  	[sflag:s3] =	ssyncadd.s32 $0xFFFFFF80  }
0x56: {  	[tilespmem:s6], [sflag:$0x2] =	stream.linear.gather [hbm4b:s5+s2], $0x80, $0x38;
	[tilespmem:$0x8400] =	vst v63  }
0x57: {  	_ =	swait.ge [sflag:s3], $0x80  }
0x58: {  	[sflag:s3] =	ssyncset.done $0x0  }
0x59: {  	[sflag:s3] =	ssyncadd.s32 $0xFFFFFF80  }
0x5a: {  	[tilespmem:s8], [sflag:$0x2] =	stream.linear.gather [hbm4b:s7+s2], $0x80, $0x38;
	[tilespmem:$0x8400] =	vst v63  }
0x5b: {  	_ =	swait.ge [sflag:s3], $0x80  }
0x5c: {  	[sflag:s3] =	ssyncset.done $0x0  }
0x5d: {  	[sflag:s3] =	ssyncadd.s32 $0xFFFFFF80  }
0x5e: {  	[tilespmem:s10], [sflag:$0x2] =	stream.linear.gather [hbm4b:s9+s2], $0x80, $0x38;
	[tilespmem:$0x8400] =	vst v63  }
0x5f: {  	_ =	swait.ge [sflag:s3], $0x80  }
0x60: {  	[sflag:s3] =	ssyncset.done $0x0  }
0x61: {  	[sflag:s3] =	ssyncadd.s32 $0xFFFFFF80  }
0x62: {  	[tilespmem:s12], [sflag:$0x2] =	stream.linear.gather [hbm4b:s11+s2], $0x80, $0x38;
	[tilespmem:$0x8400] =	vst v63  }
0x63: {  	_ =	swait.ge [sflag:s3], $0x80  }
0x64: {  	[sflag:s3] =	ssyncset.done $0x0  }
0x65: {  	[sflag:s3] =	ssyncadd.s32 $0xFFFFFF80  }
0x66: {  	[tilespmem:s14], [sflag:$0x2] =	stream.linear.gather [hbm4b:s13+s2], $0x80, $0x38;
	[tilespmem:$0x8400] =	vst v63  }
0x67: {  	_ =	swait.ge [sflag:s3], $0x80  }
0x68: {  	[sflag:s3] =	ssyncset.done $0x0  }
0x69: {  	[sflag:s3] =	ssyncadd.s32 $0xFFFFFF80  }
0x6a: {  	[tilespmem:s16], [sflag:$0x2] =	stream.linear.gather [hbm4b:s15+s2], $0x80, $0x38;
	[tilespmem:$0x8400] =	vst v63  }
0x6b: {  	_ =	swait.ge [sflag:s3], $0x80  }
0x6c: {  	[sflag:s3] =	ssyncset.done $0x0  }
0x6d: {  	[sflag:s3] =	ssyncadd.s32 $0xFFFFFF80  }
0x6e: {  	[tilespmem:s18], [sflag:$0x2] =	stream.linear.gather [hbm4b:s17+s2], $0x80, $0x38;
	[tilespmem:$0x8400] =	vst v63  }
0x6f: {  	_ =	swait.ge [sflag:s3], $0x80  }
0x70: {  	[sflag:s3] =	ssyncset.done $0x0  }
0x71: {  	[sflag:s3] =	ssyncadd.s32 $0xFFFFFF80  }
0x72: {  	[tilespmem:s20], [sflag:$0x1] =	stream.indirect.gather [hbm4b:s19+s6], $0x20, s2, s6, $0xb8;
	[tilespmem:$0x8400] =	vst v63  }
0x73: {  	_ = 	snop  }
0x74: {  	[tilespmem:s21], [sflag:$0x1] =	stream.indirect.gather [hbm4b:s19+s6], $0x20, s6, s6, $0xb8;
	[tilespmem:$0x8400] =	vst v63  }
0x75: {  	_ = 	snop  }
0x76: {  	[tilespmem:s22], [sflag:$0x1] =	stream.indirect.gather [hbm4b:s19+s6], $0x20, s8, s6, $0xb8;
	[tilespmem:$0x8400] =	vst v63  }
0x77: {  	_ = 	snop  }
0x78: {  	[tilespmem:s23], [sflag:$0x1] =	stream.indirect.gather [hbm4b:s19+s6], $0x20, s10, s6, $0xb8;
	[tilespmem:$0x8400] =	vst v63  }
0x79: {  	_ = 	snop  }
0x7a: {  	[tilespmem:s24], [sflag:$0x1] =	stream.indirect.gather [hbm4b:s19+s6], $0x20, s12, s6, $0xb8;
	[tilespmem:$0x8400] =	vst v63  }
0x7b: {  	_ = 	snop  }
0x7c: {  	[tilespmem:s25], [sflag:$0x1] =	stream.indirect.gather [hbm4b:s19+s6], $0x20, s14, s6, $0xb8;
	[tilespmem:$0x8400] =	vst v63  }
0x7d: {  	_ = 	snop  }
0x7e: {  	[tilespmem:s26], [sflag:$0x1] =	stream.indirect.gather [hbm4b:s19+s6], $0x20, s16, s6, $0xb8;
	[tilespmem:$0x8400] =	vst v63  }
0x7f: {  	_ = 	snop  }
0x80: {  	[tilespmem:s28], [sflag:$0x1] =	stream.indirect.gather [hbm4b:s19+s6], $0x20, s18, s6, $0xb8;
	[tilespmem:$0x8400] =	vst v63  }
0x81: {  	_ =	swait.ge [sflag:s29], $0x1000  }
0x82: {  	[sflag:s29] =	ssyncset.done $0x0  }
0x83: {  	[sflag:s29] =	ssyncadd.s32 $0xFFFFF000  }
0x84: {  	_ =	swait.ge [sflag:s29], $0x1000  }
0x85: {  	[sflag:s29] =	ssyncset.done $0x0  }
0x86: {  	[sflag:s29] =	ssyncadd.s32 $0xFFFFF000  }
0x87: {  	_ =	swait.ge [sflag:s29], $0x1000  }
0x88: {  	[sflag:s29] =	ssyncset.done $0x0  }
0x89: {  	[sflag:s29] =	ssyncadd.s32 $0xFFFFF000  }
0x8a: {  	_ =	swait.ge [sflag:s29], $0x1000  }
0x8b: {  	[sflag:s29] =	ssyncset.done $0x0  }
0x8c: {  	[sflag:s29] =	ssyncadd.s32 $0xFFFFF000  }
0x8d: {  	_ =	swait.ge [sflag:s29], $0x1000  }
0x8e: {  	[sflag:s29] =	ssyncset.done $0x0  }
0x8f: {  	[sflag:s29] =	ssyncadd.s32 $0xFFFFF000  }
0x90: {  	_ =	swait.ge [sflag:s29], $0x1000  }
0x91: {  	[sflag:s29] =	ssyncset.done $0x0  }
0x92: {  	[sflag:s29] =	ssyncadd.s32 $0xFFFFF000  }
0x93: {  	_ =	swait.ge [sflag:s29], $0x1000  }
0x94: {  	[sflag:s29] =	ssyncset.done $0x0  }
0x95: {  	[sflag:s29] =	ssyncadd.s32 $0xFFFFF000  }
0x96: {  	_ =	swait.ge [sflag:s29], $0x1000  }
.Ltmp1:
0x97: {  	[sflag:s29] =	ssyncset.done $0x0;
	(pc) =	sbr.rel @p0 .LBB2_1-.Ltmp1, $4  }
0x98: {  	[sflag:s29] =	ssyncadd.s32 $0xFFFFF000  }
0x99: {  	[hbm4b:s30+s2] =	stream.linear.scatter [tilespmem:s20], [sflag:$0x2], $0x8000, $0x38;
	[tilespmem:$0x8400] =	vst v63  }
0x9a: {  	_ =	swait.ge [sflag:s3], $0x8000  }
0x9b: {  	[sflag:s3] =	ssyncset.done $0x0  }
.LBB2_2:
0x9c: {  	[sflag:s3] =	ssyncadd.s32 $0xFFFF8000  }
0x9d: {  	_ =	sfence.sel $0x180000  }
0x9e: {  	[bflag:$0x0] =	sbarrier.arrive $0xFFFF  }
0x9f: {  	_ =	strace $0x90000047  }
0xa0: {  	s0 =	stileid.u32;
	[bflag:$0x2] =	sbarrier.arrive $0xFFFF  }
0xa1: {  	p0 =	sne.s32 s0, $0x0;
	s0 =	rddreg [dreg:$0x3]  }
0xa2: {  	s0 =	sadd.s32 @!p0 $0x100000, s0  }
0xa3: {  	[sflag:s0] =	ssyncadd.tile.s32 @!p0 $0x1;
	_ =	shalt  }
.Lfunc_end2:
_tile_overlayer_lowered:
.L_overlay_start_2:
0xa4: {  	(tag) =	ssettag $0x2  }
0xa5: {  	s0 =	rddreg [dreg:$0x0];
	s2 =	stileid.u32  }
0xa6: {  	s1 =	rddreg [dreg:$0x1];
	p0 =	sne.s32 s2, $0x0  }
0xa7: {  	s3 =	rddreg [dreg:$0x2];
	[bflag:$0x3] =	sbarrier.arrive $0xFFFF;
	s2 =	simm.s32 @!p0 $0x1C02  }
0xa8: {  	[timem:s3], [sflag:s2] =	dma.local @!p0 [hbm:s0], s1  }
0xa9: {  	s0 =	simm.s32 @!p0 $0x2  }
0xaa: {  	_ =	swait.ge @!p0 [sflag:s0], s1  }
0xab: {  	s1 =	ssub.s32 @!p0 $0x0, s1;
	[sflag:s0] =	ssyncset.done @!p0 $0x0  }
0xac: {  	[sflag:s0] =	ssyncadd.s32 @!p0 s1  }
0xad: {  	[bflag:$0x3] =	sbarrier.arrive $0xFFFF  }
0xae: {  	_ =	shalt  }

</sc_bundles>
